<compile_context>
chip_gen: v7x
topology: tpu7x:2x2x1
jax: 0.10.2.dev20260603
libtpu: 0.0.44.dev20260713+nightly
codegen_flags: <defaults>
</compile_context>

<pallas_src>
import functools

import jax
import jax.numpy as jnp
from jax import lax
from jax.experimental import pallas as pl
from jax.experimental.pallas import tpu as pltpu
from jax.experimental.pallas import tpu_sc as plsc

_B, _L, _D = 16, 4096, 1024
_NC, _NS, _LANES = 2, 16, 16
_NW = _NC * _NS
_RPW = _B * _L // _NW
_CH = 8
_NBUF = 10
_LA = 5
_NSP = 3
_NCHUNK = _RPW // _CH


def _sc_body(
    hid_hbm, mask_hbm, out_hbm, mask_v, lidx_v, bufs_v, spbufs, sem_g, sem_h,
    sem_s2,
):
    cid = lax.axis_index("c")
    sid = lax.axis_index("s")
    wid = sid * _NC + cid
    b = wid // 2
    half = wid % 2
    lo = half * _RPW
    row0 = b * _L

    pltpu.sync_copy(mask_hbm.at[b], mask_v)

    def init_body(i, _):
        lidx_v[pl.ds(i * _LANES, _LANES)] = jnp.full((_LANES,), row0, jnp.int32)
        return 0

    lax.fori_loop(0, _RPW // _LANES, init_body, 0, unroll=False)

    def scan_body(i, carry):
        m = mask_v[pl.ds(i * _LANES, _LANES)]
        rank = plsc.cumsum(m) + (carry - 1)
        tok = lax.iota(jnp.int32, _LANES) + (i * _LANES + row0)
        valid = (m > 0) & (rank >= lo) & (rank < lo + _RPW)
        local = jnp.clip(rank - lo, 0, _RPW - 1)
        plsc.store_scatter(lidx_v, [local], tok, mask=valid)
        return carry + jnp.sum(m)

    lax.fori_loop(0, _L // _LANES, scan_body, jnp.int32(0), unroll=False)

    out_base = wid * _RPW
    my_sp = spbufs.at[sid]

    def gather_start(c, p):
        pltpu.async_copy(
            hid_hbm.at[lidx_v.at[pl.ds(c * _CH, _CH)]],
            bufs_v.at[pl.ds(p * _CH, _CH)],
            sem_g.at[p],
        )

    def gather_wait(c):
        pltpu.make_async_copy(
            hid_hbm.at[lidx_v.at[pl.ds(0, _CH)]],
            bufs_v.at[pl.ds(0, _CH)],
            sem_g.at[c % _NBUF],
        ).wait()

    def hop1_start(c):
        pltpu.async_copy(
            bufs_v.at[pl.ds((c % _NBUF) * _CH, _CH)],
            my_sp.at[pl.ds((c % _NSP) * _CH, _CH)],
            sem_h,
        )

    def hop1_wait():
        pltpu.make_async_copy(
            bufs_v.at[pl.ds(0, _CH)],
            my_sp.at[pl.ds(0, _CH)],
            sem_h,
        ).wait()

    def hop2_start(c):
        pltpu.async_copy(
            my_sp.at[pl.ds((c % _NSP) * _CH, _CH)],
            out_hbm.at[pl.ds(out_base + c * _CH, _CH)],
            sem_s2.at[c % _NSP],
        )

    def hop2_wait(c):
        pltpu.make_async_copy(
            my_sp.at[pl.ds(0, _CH)],
            out_hbm.at[pl.ds(out_base, _CH)],
            sem_s2.at[c % _NSP],
        ).wait()

    for c0 in range(_LA):
        gather_start(c0, c0)

    def chunk_body(c, _):
        @pl.when(c >= 1)
        def _():
            hop1_wait()
            hop2_start(c - 1)

        @pl.when(c + _LA < _NCHUNK)
        def _():
            gather_start(c + _LA, (c + _LA) % _NBUF)

        gather_wait(c)

        @pl.when(c >= _NSP)
        def _():
            hop2_wait(c - _NSP)

        hop1_start(c)
        return 0

    lax.fori_loop(0, _NCHUNK, chunk_body, 0, unroll=False)
    hop1_wait()
    hop2_start(_NCHUNK - 1)
    for k in range(_NSP):
        hop2_wait(_NCHUNK - _NSP + k)


def kernel(hidden_states, ent_mask):
    B, L, D = hidden_states.shape
    flat = hidden_states.reshape(B * L, D)
    mask_i32 = ent_mask.astype(jnp.int32)

    mesh = plsc.VectorSubcoreMesh(core_axis_name="c", subcore_axis_name="s")
    run = functools.partial(
        pl.kernel,
        mesh=mesh,
        out_type=jax.ShapeDtypeStruct((B * L, D), hidden_states.dtype),
        scratch_types=[
            pltpu.VMEM((_L,), jnp.int32),
            pltpu.VMEM((_RPW,), jnp.int32),
            pltpu.VMEM((_NBUF * _CH, _D), jnp.float32),
            pltpu.VMEM_SHARED((_NS, _NSP * _CH, _D), jnp.float32),
            pltpu.SemaphoreType.DMA((_NBUF,)),
            pltpu.SemaphoreType.DMA,
            pltpu.SemaphoreType.DMA((_NSP,)),
        ],
        compiler_params=pltpu.CompilerParams(needs_layout_passes=False),
    )(_sc_body)
    out = run(flat, mask_i32)
    return out.reshape(B, L, D)

# --- scband reference (transcript-rebuilt; emitter-appended) ---
"""Pipeline reference for scband-entity-token-representation-20624432956204 (READ-ONLY COPY).

The authoritative reference and input builder live on the scoring server;
editing this copy changes nothing except your own understanding.
"""

import jax, jax.numpy as jnp
import numpy as np


def setup_inputs(seed: int = 0) -> dict:
    key = jax.random.key(seed)
    hidden_states = jax.random.normal(key, (16, 4096, 1024), dtype=jnp.float32)
    # module requires ent_mask.sum() identical for every sample; all-ones mask guarantees that
    ent_mask = jnp.ones((16, 4096), dtype=jnp.bool_)
    return {"hidden_states": hidden_states, "ent_mask": ent_mask}


def reference(hidden_states, ent_mask):
    # Faithful translation: per-sample gather of entity tokens with a fixed-shape
    # masked-index construction; per-sample count equals the static sequence
    # length (mask sum is guaranteed identical and full per sample).
    B, L, _ = hidden_states.shape
    rank = jnp.cumsum(ent_mask.astype(jnp.int32), axis=1) - 1
    scatter_pos = jnp.where(ent_mask, rank, L)
    token_ids = jnp.broadcast_to(jnp.arange(L, dtype=jnp.int32), (B, L))
    idx = jax.vmap(
        lambda pos, tok: jnp.zeros((L,), dtype=jnp.int32).at[pos].set(tok, mode="drop")
    )(scatter_pos, token_ids)
    ent_vectors = jnp.take_along_axis(hidden_states, idx[:, :, None], axis=1)
    return ent_vectors

if __name__ == "__main__":
    import jax
    _d = setup_inputs()
    print(jax.jit(kernel)(*tuple(_d.values())))

</pallas_src>

<mosaic_0001>
#map = affine_map<(d0, d1) -> (0, 0)>
module attributes {stable_mosaic.version = 14 : i64} {
  func.func @_sc_body(%arg0: i32, %arg1: i32, %arg2: memref<65536x1024xf32, #tpu.memory_space<hbm>>, %arg3: memref<16x4096xi32, #tpu.memory_space<hbm>>, %arg4: memref<65536x1024xf32, #tpu.memory_space<hbm>>, %arg5: memref<4096xi32, #tpu.memory_space<vmem>>, %arg6: memref<2048xi32, #tpu.memory_space<vmem>>, %arg7: memref<80x1024xf32, #tpu.memory_space<vmem>>, %arg8: memref<16x24x1024xf32, #tpu.memory_space<vmem_shared>>, %arg9: memref<10x!tpu.dma_semaphore, #tpu.memory_space<semaphore_mem>>, %arg10: memref<!tpu.dma_semaphore, #tpu.memory_space<semaphore_mem>>, %arg11: memref<3x!tpu.dma_semaphore, #tpu.memory_space<semaphore_mem>>) attributes {dimension_semantics = [#tpu.dimension_semantics<core_parallel>, #tpu.dimension_semantics<subcore_parallel>], iteration_bounds = array<i64: 2, 16>, scalar_prefetch = 0 : i64, scratch_operands = 7 : i64, tpu.core_type = #tpu.core_type<sc_vector_subcore>, window_params = [{transform_indices = #map}, {transform_indices = #map}, {transform_indices = #map}]} {
    %mul3A = arith.constant 2 : i32
    %mul3A_0 = arith.muli %arg1, %mul3A : i32
    %add3A = arith.addi %mul3A_0, %arg0 : i32
    %jit3A = arith.constant 2 : i32
    %div3A = arith.divsi %add3A, %jit3A : i32
    %sign3A = arith.constant 0 : i32
    %sign3A_1 = arith.cmpi sgt, %add3A, %sign3A : i32
    %sign3A_2 = arith.extui %sign3A_1 : i1 to i32
    %sign3A_3 = arith.constant 0 : i32
    %sign3A_4 = arith.cmpi slt, %add3A, %sign3A_3 : i32
    %sign3A_5 = arith.extui %sign3A_4 : i1 to i32
    %sign3A_6 = arith.subi %sign3A_2, %sign3A_5 : i32
    %sign3A_7 = arith.constant 0 : i32
    %sign3A_8 = arith.cmpi sgt, %jit3A, %sign3A_7 : i32
    %sign3A_9 = arith.extui %sign3A_8 : i1 to i32
    %sign3A_10 = arith.constant 0 : i32
    %sign3A_11 = arith.cmpi slt, %jit3A, %sign3A_10 : i32
    %sign3A_12 = arith.extui %sign3A_11 : i1 to i32
    %sign3A_13 = arith.subi %sign3A_9, %sign3A_12 : i32
    %ne3A = arith.cmpi ne, %sign3A_6, %sign3A_13 : i32
    %rem3A = arith.remsi %add3A, %jit3A : i32
    %ne3A_14 = arith.constant 0 : i32
    %ne3A_15 = arith.cmpi ne, %rem3A, %ne3A_14 : i32
    %and3A = arith.andi %ne3A, %ne3A_15 : i1
    %sub3A = arith.constant 1 : i32
    %sub3A_16 = arith.subi %div3A, %sub3A : i32
    %select_n3A = arith.select %and3A, %sub3A_16, %div3A : i32
    %jit3A_17 = arith.constant 2 : i32
    %eq3A = arith.constant 0 : i32
    %eq3A_18 = arith.cmpi eq, %jit3A_17, %eq3A : i32
    %jit3A_19 = arith.constant 1 : i32
    %select_n3A_20 = arith.select %eq3A_18, %jit3A_19, %jit3A_17 : i32
    %rem3A_21 = arith.remsi %add3A, %select_n3A_20 : i32
    %ne3A_22 = arith.constant 0 : i32
    %ne3A_23 = arith.cmpi ne, %rem3A_21, %ne3A_22 : i32
    %lt3A = arith.constant 0 : i32
    %lt3A_24 = arith.cmpi slt, %rem3A_21, %lt3A : i32
    %lt3A_25 = arith.constant 0 : i32
    %lt3A_26 = arith.cmpi slt, %select_n3A_20, %lt3A_25 : i32
    %ne3A_27 = arith.xori %lt3A_24, %lt3A_26 : i1
    %and3A_28 = arith.andi %ne3A_27, %ne3A_23 : i1
    %add3A_29 = arith.addi %rem3A_21, %select_n3A_20 : i32
    %select_n3A_30 = arith.select %and3A_28, %add3A_29, %rem3A_21 : i32
    %mul3A_31 = arith.constant 2048 : i32
    %mul3A_32 = arith.muli %select_n3A_30, %mul3A_31 : i32
    %mul3A_33 = arith.constant 4096 : i32
    %mul3A_34 = arith.muli %select_n3A, %mul3A_33 : i32
    "tpu.region"() ({
      %run_scoped3A = tpu.sem_alloc : memref<!tpu.dma_semaphore, #tpu.memory_space<semaphore_mem>>
      %dma_start3A_180 = arith.constant 0 : i32
      %dma_start3A_181 = tpu.memref_slice %arg3[%select_n3A, %dma_start3A_180] : memref<16x4096xi32, #tpu.memory_space<hbm>> -> memref<1x4096xi32, #tpu.memory_space<hbm>>
      %dma_start3A_182 = tpu.memref_squeeze %dma_start3A_181 : memref<1x4096xi32, #tpu.memory_space<hbm>> -> memref<4096xi32, #tpu.memory_space<hbm>>
      %dma_start3A_183 = arith.constant 0 : i32
      %dma_start3A_184 = tpu.memref_slice %arg3[%select_n3A, %dma_start3A_183] : memref<16x4096xi32, #tpu.memory_space<hbm>> -> memref<1x4096xi32, #tpu.memory_space<hbm>>
      %dma_start3A_185 = tpu.memref_squeeze %dma_start3A_184 : memref<1x4096xi32, #tpu.memory_space<hbm>> -> memref<4096xi32, #tpu.memory_space<hbm>>
      tpu.enqueue_dma source(%dma_start3A_185 : memref<4096xi32, #tpu.memory_space<hbm>>) target(%arg5 : memref<4096xi32, #tpu.memory_space<vmem>>) target_semaphore(%run_scoped3A : memref<!tpu.dma_semaphore, #tpu.memory_space<semaphore_mem>>)
      %dma_wait3A_186 = arith.constant 0 : i32
      %dma_wait3A_187 = tpu.memref_slice %arg3[%select_n3A, %dma_wait3A_186] : memref<16x4096xi32, #tpu.memory_space<hbm>> -> memref<1x4096xi32, #tpu.memory_space<hbm>>
      %dma_wait3A_188 = tpu.memref_squeeze %dma_wait3A_187 : memref<1x4096xi32, #tpu.memory_space<hbm>> -> memref<4096xi32, #tpu.memory_space<hbm>>
      %dma_wait3A_189 = arith.constant 0 : i32
      %dma_wait3A_190 = tpu.memref_slice %arg3[%select_n3A, %dma_wait3A_189] : memref<16x4096xi32, #tpu.memory_space<hbm>> -> memref<1x4096xi32, #tpu.memory_space<hbm>>
      %dma_wait3A_191 = tpu.memref_squeeze %dma_wait3A_190 : memref<1x4096xi32, #tpu.memory_space<hbm>> -> memref<4096xi32, #tpu.memory_space<hbm>>
      tpu.wait_dma2 semaphore(%run_scoped3A : memref<!tpu.dma_semaphore, #tpu.memory_space<semaphore_mem>>) src(%dma_wait3A_191 : memref<4096xi32, #tpu.memory_space<hbm>>) dst(%arg5 : memref<4096xi32, #tpu.memory_space<vmem>>)
      tpu.yield
    }) : () -> ()
    %scan3A = arith.constant 0 : i32
    %scan3A_35 = arith.constant 0 : i32
    %scan3A_36 = arith.constant 128 : i32
    %scan3A_37 = arith.addi %scan3A_35, %scan3A_36 : i32
    %scan3A_38 = arith.constant 1 : i32
    %scan3A_39 = scf.for %scan3A_180 = %scan3A_35 to %scan3A_37 step %scan3A_38 iter_args(%scan3A_181 = %scan3A) -> (i32)  : i32 {
      %broadcast_in_dim3A = vector.broadcast %mul3A_34 : i32 to vector<16xi32>
      %mul3A_182 = arith.constant 16 : i32
      %mul3A_183 = arith.muli %scan3A_180, %mul3A_182 : i32
      %swap3A = arith.index_cast %mul3A_183 : i32 to index
      %swap3A_184 = tpu.vector_load %arg6[%swap3A] {strides = array<i32>} : memref<2048xi32, #tpu.memory_space<vmem>>, vector<16xi32>,
      tpu.vector_store %arg6[%swap3A], %broadcast_in_dim3A {strides = array<i32>} : memref<2048xi32, #tpu.memory_space<vmem>>, vector<16xi32>,
      %scan3A_185 = arith.constant 0 : i32
      scf.yield %scan3A_185 : i32
    }
    %scan3A_40 = arith.constant 128 : i32
    %scan3A_41 = arith.constant 0 : i32
    %scan3A_42 = arith.constant 0 : i32
    %scan3A_43 = arith.constant 256 : i32
    %scan3A_44 = arith.addi %scan3A_42, %scan3A_43 : i32
    %scan3A_45 = arith.constant 1 : i32
    %scan3A_46 = scf.for %scan3A_180 = %scan3A_42 to %scan3A_44 step %scan3A_45 iter_args(%scan3A_181 = %scan3A_41) -> (i32)  : i32 {
      %mul3A_182 = arith.constant 16 : i32
      %mul3A_183 = arith.muli %scan3A_180, %mul3A_182 : i32
      %get3A = arith.index_cast %mul3A_183 : i32 to index
      %get3A_184 = tpu.vector_load %arg5[%get3A] {strides = array<i32>} : memref<4096xi32, #tpu.memory_space<vmem>>, vector<16xi32>,
      %broadcast_in_dim3A = arith.constant true
      %broadcast_in_dim3A_185 = vector.broadcast %broadcast_in_dim3A : i1 to vector<16xi1>
      %masked_cumsum3A = tpu.scan <sum>, %get3A_184 masked %broadcast_in_dim3A_185 : vector<16xi32>, vector<16xi1> -> vector<16xi32>
      %sub3A_186 = arith.constant 1 : i32
      %sub3A_187 = arith.subi %scan3A_181, %sub3A_186 : i32
      %add3A_188 = vector.broadcast %sub3A_187 : i32 to vector<16xi32>
      %add3A_189 = arith.addi %masked_cumsum3A, %add3A_188 : vector<16xi32>
      %iota3A = tpu.iota {dimensions = array<i32: 0>} : vector<16xi32>
      %mul3A_190 = arith.constant 16 : i32
      %mul3A_191 = arith.muli %scan3A_180, %mul3A_190 : i32
      %add3A_192 = arith.addi %mul3A_191, %mul3A_34 : i32
      %add3A_193 = vector.broadcast %add3A_192 : i32 to vector<16xi32>
      %add3A_194 = arith.addi %iota3A, %add3A_193 : vector<16xi32>
      %gt3A = arith.constant 0 : i32
      %gt3A_195 = vector.broadcast %gt3A : i32 to vector<16xi32>
      %gt3A_196 = arith.cmpi sgt, %get3A_184, %gt3A_195 : vector<16xi32>
      %ge3A = vector.broadcast %mul3A_32 : i32 to vector<16xi32>
      %ge3A_197 = arith.cmpi sge, %add3A_189, %ge3A : vector<16xi32>
      %and3A_198 = arith.andi %gt3A_196, %ge3A_197 : vector<16xi1>
      %add3A_199 = arith.constant 2048 : i32
      %add3A_200 = arith.addi %mul3A_32, %add3A_199 : i32
      %lt3A_201 = vector.broadcast %add3A_200 : i32 to vector<16xi32>
      %lt3A_202 = arith.cmpi slt, %add3A_189, %lt3A_201 : vector<16xi32>
      %and3A_203 = arith.andi %and3A_198, %lt3A_202 : vector<16xi1>
      %sub3A_204 = vector.broadcast %mul3A_32 : i32 to vector<16xi32>
      %sub3A_205 = arith.subi %add3A_189, %sub3A_204 : vector<16xi32>
      %jit3A_206 = arith.constant 0 : i32
      %jit3A_207 = arith.constant 2047 : i32
      %max3A = vector.broadcast %jit3A_206 : i32 to vector<16xi32>
      %max3A_208 = arith.maxsi %max3A, %sub3A_205 : vector<16xi32>
      %min3A = vector.broadcast %jit3A_207 : i32 to vector<16xi32>
      %min3A_209 = arith.minsi %min3A, %max3A_208 : vector<16xi32>
      tpu.vector_store_idx %arg6[%min3A_209], %add3A_194 masked %and3A_203 : memref<2048xi32, #tpu.memory_space<vmem>>[vector<16xi32>], vector<16xi32>, vector<16xi1>
      %reduce_sum3A = arith.constant true
      %reduce_sum3A_210 = vector.broadcast %reduce_sum3A : i1 to vector<16xi1>
      %reduce_sum3A_211 = tpu.scan <sum>, %get3A_184 masked %reduce_sum3A_210 : vector<16xi32>, vector<16xi1> -> vector<16xi32>
      %reduce_sum3A_212 = vector.extract %reduce_sum3A_211[15] : i32 from vector<16xi32>
      %add3A_213 = arith.addi %scan3A_181, %reduce_sum3A_212 : i32
      scf.yield %add3A_213 : i32
    }
    %scan3A_47 = arith.constant 256 : i32
    %mul3A_48 = arith.constant 2048 : i32
    %mul3A_49 = arith.muli %add3A, %mul3A_48 : i32
    %dma_start3A = arith.constant 0 : i32
    %dma_start3A_50 = arith.constant 0 : i32
    %dma_start3A_51 = arith.constant 0 : i32
    %dma_start3A_52 = tpu.memref_slice %arg7[%dma_start3A_50, %dma_start3A_51] : memref<80x1024xf32, #tpu.memory_space<vmem>> -> memref<8x1024xf32, #tpu.memory_space<vmem>>
    %dma_start3A_53 = arith.constant 0 : i32
    %dma_start3A_54 = tpu.memref_slice %arg6[%dma_start3A_53] : memref<2048xi32, #tpu.memory_space<vmem>> -> memref<8xi32, #tpu.memory_space<vmem>>
    %dma_start3A_55 = arith.constant 0 : i32
    %dma_start3A_56 = arith.constant 0 : i32
    %dma_start3A_57 = tpu.memref_slice %arg2[%dma_start3A_55, %dma_start3A_56] : memref<65536x1024xf32, #tpu.memory_space<hbm>> -> memref<65536x1024xf32, #tpu.memory_space<hbm>>
    %dma_start3A_58 = tpu.memref_slice %arg9[%dma_start3A] : memref<10x!tpu.dma_semaphore, #tpu.memory_space<semaphore_mem>> -> memref<1x!tpu.dma_semaphore, #tpu.memory_space<semaphore_mem>>
    %dma_start3A_59 = tpu.memref_squeeze %dma_start3A_58 : memref<1x!tpu.dma_semaphore, #tpu.memory_space<semaphore_mem>> -> memref<!tpu.dma_semaphore, #tpu.memory_space<semaphore_mem>>
    tpu.enqueue_indirect_dma source(%dma_start3A_57 : memref<65536x1024xf32, #tpu.memory_space<hbm>>) target(%dma_start3A_52 : memref<8x1024xf32, #tpu.memory_space<vmem>>) offsets(%dma_start3A_54 : memref<8xi32, #tpu.memory_space<vmem>>) semaphore(%dma_start3A_59 : memref<!tpu.dma_semaphore, #tpu.memory_space<semaphore_mem>>)
    %dma_start3A_60 = arith.constant 1 : i32
    %dma_start3A_61 = arith.constant 8 : i32
    %dma_start3A_62 = arith.constant 0 : i32
    %dma_start3A_63 = tpu.memref_slice %arg7[%dma_start3A_61, %dma_start3A_62] : memref<80x1024xf32, #tpu.memory_space<vmem>> -> memref<8x1024xf32, #tpu.memory_space<vmem>>
    %dma_start3A_64 = arith.constant 8 : i32
    %dma_start3A_65 = tpu.memref_slice %arg6[%dma_start3A_64] : memref<2048xi32, #tpu.memory_space<vmem>> -> memref<8xi32, #tpu.memory_space<vmem>>
    %dma_start3A_66 = arith.constant 0 : i32
    %dma_start3A_67 = arith.constant 0 : i32
    %dma_start3A_68 = tpu.memref_slice %arg2[%dma_start3A_66, %dma_start3A_67] : memref<65536x1024xf32, #tpu.memory_space<hbm>> -> memref<65536x1024xf32, #tpu.memory_space<hbm>>
    %dma_start3A_69 = tpu.memref_slice %arg9[%dma_start3A_60] : memref<10x!tpu.dma_semaphore, #tpu.memory_space<semaphore_mem>> -> memref<1x!tpu.dma_semaphore, #tpu.memory_space<semaphore_mem>>
    %dma_start3A_70 = tpu.memref_squeeze %dma_start3A_69 : memref<1x!tpu.dma_semaphore, #tpu.memory_space<semaphore_mem>> -> memref<!tpu.dma_semaphore, #tpu.memory_space<semaphore_mem>>
    tpu.enqueue_indirect_dma source(%dma_start3A_68 : memref<65536x1024xf32, #tpu.memory_space<hbm>>) target(%dma_start3A_63 : memref<8x1024xf32, #tpu.memory_space<vmem>>) offsets(%dma_start3A_65 : memref<8xi32, #tpu.memory_space<vmem>>) semaphore(%dma_start3A_70 : memref<!tpu.dma_semaphore, #tpu.memory_space<semaphore_mem>>)
    %dma_start3A_71 = arith.constant 2 : i32
    %dma_start3A_72 = arith.constant 16 : i32
    %dma_start3A_73 = arith.constant 0 : i32
    %dma_start3A_74 = tpu.memref_slice %arg7[%dma_start3A_72, %dma_start3A_73] : memref<80x1024xf32, #tpu.memory_space<vmem>> -> memref<8x1024xf32, #tpu.memory_space<vmem>>
    %dma_start3A_75 = arith.constant 16 : i32
    %dma_start3A_76 = tpu.memref_slice %arg6[%dma_start3A_75] : memref<2048xi32, #tpu.memory_space<vmem>> -> memref<8xi32, #tpu.memory_space<vmem>>
    %dma_start3A_77 = arith.constant 0 : i32
    %dma_start3A_78 = arith.constant 0 : i32
    %dma_start3A_79 = tpu.memref_slice %arg2[%dma_start3A_77, %dma_start3A_78] : memref<65536x1024xf32, #tpu.memory_space<hbm>> -> memref<65536x1024xf32, #tpu.memory_space<hbm>>
    %dma_start3A_80 = tpu.memref_slice %arg9[%dma_start3A_71] : memref<10x!tpu.dma_semaphore, #tpu.memory_space<semaphore_mem>> -> memref<1x!tpu.dma_semaphore, #tpu.memory_space<semaphore_mem>>
    %dma_start3A_81 = tpu.memref_squeeze %dma_start3A_80 : memref<1x!tpu.dma_semaphore, #tpu.memory_space<semaphore_mem>> -> memref<!tpu.dma_semaphore, #tpu.memory_space<semaphore_mem>>
    tpu.enqueue_indirect_dma source(%dma_start3A_79 : memref<65536x1024xf32, #tpu.memory_space<hbm>>) target(%dma_start3A_74 : memref<8x1024xf32, #tpu.memory_space<vmem>>) offsets(%dma_start3A_76 : memref<8xi32, #tpu.memory_space<vmem>>) semaphore(%dma_start3A_81 : memref<!tpu.dma_semaphore, #tpu.memory_space<semaphore_mem>>)
    %dma_start3A_82 = arith.constant 3 : i32
    %dma_start3A_83 = arith.constant 24 : i32
    %dma_start3A_84 = arith.constant 0 : i32
    %dma_start3A_85 = tpu.memref_slice %arg7[%dma_start3A_83, %dma_start3A_84] : memref<80x1024xf32, #tpu.memory_space<vmem>> -> memref<8x1024xf32, #tpu.memory_space<vmem>>
    %dma_start3A_86 = arith.constant 24 : i32
    %dma_start3A_87 = tpu.memref_slice %arg6[%dma_start3A_86] : memref<2048xi32, #tpu.memory_space<vmem>> -> memref<8xi32, #tpu.memory_space<vmem>>
    %dma_start3A_88 = arith.constant 0 : i32
    %dma_start3A_89 = arith.constant 0 : i32
    %dma_start3A_90 = tpu.memref_slice %arg2[%dma_start3A_88, %dma_start3A_89] : memref<65536x1024xf32, #tpu.memory_space<hbm>> -> memref<65536x1024xf32, #tpu.memory_space<hbm>>
    %dma_start3A_91 = tpu.memref_slice %arg9[%dma_start3A_82] : memref<10x!tpu.dma_semaphore, #tpu.memory_space<semaphore_mem>> -> memref<1x!tpu.dma_semaphore, #tpu.memory_space<semaphore_mem>>
    %dma_start3A_92 = tpu.memref_squeeze %dma_start3A_91 : memref<1x!tpu.dma_semaphore, #tpu.memory_space<semaphore_mem>> -> memref<!tpu.dma_semaphore, #tpu.memory_space<semaphore_mem>>
    tpu.enqueue_indirect_dma source(%dma_start3A_90 : memref<65536x1024xf32, #tpu.memory_space<hbm>>) target(%dma_start3A_85 : memref<8x1024xf32, #tpu.memory_space<vmem>>) offsets(%dma_start3A_87 : memref<8xi32, #tpu.memory_space<vmem>>) semaphore(%dma_start3A_92 : memref<!tpu.dma_semaphore, #tpu.memory_space<semaphore_mem>>)
    %dma_start3A_93 = arith.constant 4 : i32
    %dma_start3A_94 = arith.constant 32 : i32
    %dma_start3A_95 = arith.constant 0 : i32
    %dma_start3A_96 = tpu.memref_slice %arg7[%dma_start3A_94, %dma_start3A_95] : memref<80x1024xf32, #tpu.memory_space<vmem>> -> memref<8x1024xf32, #tpu.memory_space<vmem>>
    %dma_start3A_97 = arith.constant 32 : i32
    %dma_start3A_98 = tpu.memref_slice %arg6[%dma_start3A_97] : memref<2048xi32, #tpu.memory_space<vmem>> -> memref<8xi32, #tpu.memory_space<vmem>>
    %dma_start3A_99 = arith.constant 0 : i32
    %dma_start3A_100 = arith.constant 0 : i32
    %dma_start3A_101 = tpu.memref_slice %arg2[%dma_start3A_99, %dma_start3A_100] : memref<65536x1024xf32, #tpu.memory_space<hbm>> -> memref<65536x1024xf32, #tpu.memory_space<hbm>>
    %dma_start3A_102 = tpu.memref_slice %arg9[%dma_start3A_93] : memref<10x!tpu.dma_semaphore, #tpu.memory_space<semaphore_mem>> -> memref<1x!tpu.dma_semaphore, #tpu.memory_space<semaphore_mem>>
    %dma_start3A_103 = tpu.memref_squeeze %dma_start3A_102 : memref<1x!tpu.dma_semaphore, #tpu.memory_space<semaphore_mem>> -> memref<!tpu.dma_semaphore, #tpu.memory_space<semaphore_mem>>
    tpu.enqueue_indirect_dma source(%dma_start3A_101 : memref<65536x1024xf32, #tpu.memory_space<hbm>>) target(%dma_start3A_96 : memref<8x1024xf32, #tpu.memory_space<vmem>>) offsets(%dma_start3A_98 : memref<8xi32, #tpu.memory_space<vmem>>) semaphore(%dma_start3A_103 : memref<!tpu.dma_semaphore, #tpu.memory_space<semaphore_mem>>)
    %scan3A_104 = arith.constant 0 : i32
    %scan3A_105 = arith.constant 0 : i32
    %scan3A_106 = arith.constant 256 : i32
    %scan3A_107 = arith.addi %scan3A_105, %scan3A_106 : i32
    %scan3A_108 = arith.constant 1 : i32
    %scan3A_109 = scf.for %scan3A_180 = %scan3A_105 to %scan3A_107 step %scan3A_108 iter_args(%scan3A_181 = %scan3A_104) -> (i32)  : i32 {
      %ge3A = arith.constant 1 : i32
      %ge3A_182 = arith.cmpi sge, %scan3A_180, %ge3A : i32
      %convert_element_type3A = arith.extui %ge3A_182 : i1 to i32
      %cond3A = arith.constant 0 : i32
      %cond3A_183 = arith.cmpi ne, %convert_element_type3A, %cond3A : i32
      scf.if %cond3A_183 {
        %dma_wait3A_275 = arith.constant 0 : i32
        %dma_wait3A_276 = arith.constant 0 : i32
        %dma_wait3A_277 = tpu.memref_slice %arg7[%dma_wait3A_275, %dma_wait3A_276] : memref<80x1024xf32, #tpu.memory_space<vmem>> -> memref<8x1024xf32, #tpu.memory_space<vmem>>
        %dma_wait3A_278 = arith.constant 0 : i32
        %dma_wait3A_279 = arith.constant 0 : i32
        %dma_wait3A_280 = tpu.memref_slice %arg8[%arg1, %dma_wait3A_278, %dma_wait3A_279] : memref<16x24x1024xf32, #tpu.memory_space<vmem_shared>> -> memref<1x24x1024xf32, #tpu.memory_space<vmem_shared>>
        %dma_wait3A_281 = tpu.memref_squeeze %dma_wait3A_280 : memref<1x24x1024xf32, #tpu.memory_space<vmem_shared>> -> memref<24x1024xf32, #tpu.memory_space<vmem_shared>>
        %dma_wait3A_282 = arith.constant 0 : i32
        %dma_wait3A_283 = arith.constant 0 : i32
        %dma_wait3A_284 = tpu.memref_slice %dma_wait3A_281[%dma_wait3A_282, %dma_wait3A_283] : memref<24x1024xf32, #tpu.memory_space<vmem_shared>> -> memref<8x1024xf32, #tpu.memory_space<vmem_shared>>
        %dma_wait3A_285 = arith.constant 0 : i32
        %dma_wait3A_286 = arith.constant 0 : i32
        %dma_wait3A_287 = tpu.memref_slice %arg8[%arg1, %dma_wait3A_285, %dma_wait3A_286] : memref<16x24x1024xf32, #tpu.memory_space<vmem_shared>> -> memref<1x24x1024xf32, #tpu.memory_space<vmem_shared>>
        %dma_wait3A_288 = tpu.memref_squeeze %dma_wait3A_287 : memref<1x24x1024xf32, #tpu.memory_space<vmem_shared>> -> memref<24x1024xf32, #tpu.memory_space<vmem_shared>>
        %dma_wait3A_289 = arith.constant 0 : i32
        %dma_wait3A_290 = arith.constant 0 : i32
        %dma_wait3A_291 = tpu.memref_slice %dma_wait3A_288[%dma_wait3A_289, %dma_wait3A_290] : memref<24x1024xf32, #tpu.memory_space<vmem_shared>> -> memref<8x1024xf32, #tpu.memory_space<vmem_shared>>
        %dma_wait3A_292 = arith.constant 0 : i32
        %dma_wait3A_293 = arith.constant 0 : i32
        %dma_wait3A_294 = tpu.memref_slice %arg7[%dma_wait3A_292, %dma_wait3A_293] : memref<80x1024xf32, #tpu.memory_space<vmem>> -> memref<8x1024xf32, #tpu.memory_space<vmem>>
        tpu.wait_dma2 semaphore(%arg10 : memref<!tpu.dma_semaphore, #tpu.memory_space<semaphore_mem>>) src(%dma_wait3A_294 : memref<8x1024xf32, #tpu.memory_space<vmem>>) dst(%dma_wait3A_291 : memref<8x1024xf32, #tpu.memory_space<vmem_shared>>)
        %sub3A_295 = arith.constant 1 : i32
        %sub3A_296 = arith.subi %scan3A_180, %sub3A_295 : i32
        %jit3A_297 = arith.constant 3 : i32
        %eq3A_298 = arith.constant 0 : i32
        %eq3A_299 = arith.cmpi eq, %jit3A_297, %eq3A_298 : i32
        %jit3A_300 = arith.constant 1 : i32
        %select_n3A_301 = arith.select %eq3A_299, %jit3A_300, %jit3A_297 : i32
        %rem3A_302 = arith.remsi %sub3A_296, %select_n3A_301 : i32
        %ne3A_303 = arith.constant 0 : i32
        %ne3A_304 = arith.cmpi ne, %rem3A_302, %ne3A_303 : i32
        %lt3A_305 = arith.constant 0 : i32
        %lt3A_306 = arith.cmpi slt, %rem3A_302, %lt3A_305 : i32
        %lt3A_307 = arith.constant 0 : i32
        %lt3A_308 = arith.cmpi slt, %select_n3A_301, %lt3A_307 : i32
        %ne3A_309 = arith.xori %lt3A_306, %lt3A_308 : i1
        %and3A_310 = arith.andi %ne3A_309, %ne3A_304 : i1
        %add3A_311 = arith.addi %rem3A_302, %select_n3A_301 : i32
        %select_n3A_312 = arith.select %and3A_310, %add3A_311, %rem3A_302 : i32
        %mul3A_313 = arith.constant 8 : i32
        %mul3A_314 = arith.muli %select_n3A_312, %mul3A_313 : i32
        %mul3A_315 = arith.constant 8 : i32
        %mul3A_316 = arith.muli %sub3A_296, %mul3A_315 : i32
        %add3A_317 = arith.addi %mul3A_49, %mul3A_316 : i32
        %jit3A_318 = arith.constant 3 : i32
        %eq3A_319 = arith.constant 0 : i32
        %eq3A_320 = arith.cmpi eq, %jit3A_318, %eq3A_319 : i32
        %jit3A_321 = arith.constant 1 : i32
        %select_n3A_322 = arith.select %eq3A_320, %jit3A_321, %jit3A_318 : i32
        %rem3A_323 = arith.remsi %sub3A_296, %select_n3A_322 : i32
        %ne3A_324 = arith.constant 0 : i32
        %ne3A_325 = arith.cmpi ne, %rem3A_323, %ne3A_324 : i32
        %lt3A_326 = arith.constant 0 : i32
        %lt3A_327 = arith.cmpi slt, %rem3A_323, %lt3A_326 : i32
        %lt3A_328 = arith.constant 0 : i32
        %lt3A_329 = arith.cmpi slt, %select_n3A_322, %lt3A_328 : i32
        %ne3A_330 = arith.xori %lt3A_327, %lt3A_329 : i1
        %and3A_331 = arith.andi %ne3A_330, %ne3A_325 : i1
        %add3A_332 = arith.addi %rem3A_323, %select_n3A_322 : i32
        %select_n3A_333 = arith.select %and3A_331, %add3A_332, %rem3A_323 : i32
        %dma_start3A_334 = tpu.memref_slice %arg11[%select_n3A_333] : memref<3x!tpu.dma_semaphore, #tpu.memory_space<semaphore_mem>> -> memref<1x!tpu.dma_semaphore, #tpu.memory_space<semaphore_mem>>
        %dma_start3A_335 = tpu.memref_squeeze %dma_start3A_334 : memref<1x!tpu.dma_semaphore, #tpu.memory_space<semaphore_mem>> -> memref<!tpu.dma_semaphore, #tpu.memory_space<semaphore_mem>>
        %dma_start3A_336 = arith.constant 0 : i32
        %dma_start3A_337 = tpu.memref_slice %arg4[%add3A_317, %dma_start3A_336] : memref<65536x1024xf32, #tpu.memory_space<hbm>> -> memref<8x1024xf32, #tpu.memory_space<hbm>>
        %dma_start3A_338 = arith.constant 0 : i32
        %dma_start3A_339 = arith.constant 0 : i32
        %dma_start3A_340 = tpu.memref_slice %arg8[%arg1, %dma_start3A_338, %dma_start3A_339] : memref<16x24x1024xf32, #tpu.memory_space<vmem_shared>> -> memref<1x24x1024xf32, #tpu.memory_space<vmem_shared>>
        %dma_start3A_341 = tpu.memref_squeeze %dma_start3A_340 : memref<1x24x1024xf32, #tpu.memory_space<vmem_shared>> -> memref<24x1024xf32, #tpu.memory_space<vmem_shared>>
        %dma_start3A_342 = arith.constant 0 : i32
        %dma_start3A_343 = tpu.memref_slice %dma_start3A_341[%mul3A_314, %dma_start3A_342] : memref<24x1024xf32, #tpu.memory_space<vmem_shared>> -> memref<8x1024xf32, #tpu.memory_space<vmem_shared>>
        tpu.enqueue_dma source(%dma_start3A_343 : memref<8x1024xf32, #tpu.memory_space<vmem_shared>>) target(%dma_start3A_337 : memref<8x1024xf32, #tpu.memory_space<hbm>>) target_semaphore(%dma_start3A_335 : memref<!tpu.dma_semaphore, #tpu.memory_space<semaphore_mem>>)
      } else {
      }
      %add3A_184 = arith.constant 5 : i32
      %add3A_185 = arith.addi %scan3A_180, %add3A_184 : i32
      %lt3A_186 = arith.constant 256 : i32
      %lt3A_187 = arith.cmpi slt, %add3A_185, %lt3A_186 : i32
      %convert_element_type3A_188 = arith.extui %lt3A_187 : i1 to i32
      %cond3A_189 = arith.constant 0 : i32
      %cond3A_190 = arith.cmpi ne, %convert_element_type3A_188, %cond3A_189 : i32
      scf.if %cond3A_190 {
        %add3A_275 = arith.constant 5 : i32
        %add3A_276 = arith.addi %scan3A_180, %add3A_275 : i32
        %add3A_277 = arith.constant 5 : i32
        %add3A_278 = arith.addi %scan3A_180, %add3A_277 : i32
        %jit3A_279 = arith.constant 10 : i32
        %eq3A_280 = arith.constant 0 : i32
        %eq3A_281 = arith.cmpi eq, %jit3A_279, %eq3A_280 : i32
        %jit3A_282 = arith.constant 1 : i32
        %select_n3A_283 = arith.select %eq3A_281, %jit3A_282, %jit3A_279 : i32
        %rem3A_284 = arith.remsi %add3A_278, %select_n3A_283 : i32
        %ne3A_285 = arith.constant 0 : i32
        %ne3A_286 = arith.cmpi ne, %rem3A_284, %ne3A_285 : i32
        %lt3A_287 = arith.constant 0 : i32
        %lt3A_288 = arith.cmpi slt, %rem3A_284, %lt3A_287 : i32
        %lt3A_289 = arith.constant 0 : i32
        %lt3A_290 = arith.cmpi slt, %select_n3A_283, %lt3A_289 : i32
        %ne3A_291 = arith.xori %lt3A_288, %lt3A_290 : i1
        %and3A_292 = arith.andi %ne3A_291, %ne3A_286 : i1
        %add3A_293 = arith.addi %rem3A_284, %select_n3A_283 : i32
        %select_n3A_294 = arith.select %and3A_292, %add3A_293, %rem3A_284 : i32
        %mul3A_295 = arith.constant 8 : i32
        %mul3A_296 = arith.muli %add3A_276, %mul3A_295 : i32
        %mul3A_297 = arith.constant 8 : i32
        %mul3A_298 = arith.muli %select_n3A_294, %mul3A_297 : i32
        %dma_start3A_299 = arith.constant 0 : i32
        %dma_start3A_300 = tpu.memref_slice %arg7[%mul3A_298, %dma_start3A_299] : memref<80x1024xf32, #tpu.memory_space<vmem>> -> memref<8x1024xf32, #tpu.memory_space<vmem>>
        %dma_start3A_301 = tpu.memref_slice %arg6[%mul3A_296] : memref<2048xi32, #tpu.memory_space<vmem>> -> memref<8xi32, #tpu.memory_space<vmem>>
        %dma_start3A_302 = arith.constant 0 : i32
        %dma_start3A_303 = arith.constant 0 : i32
        %dma_start3A_304 = tpu.memref_slice %arg2[%dma_start3A_302, %dma_start3A_303] : memref<65536x1024xf32, #tpu.memory_space<hbm>> -> memref<65536x1024xf32, #tpu.memory_space<hbm>>
        %dma_start3A_305 = tpu.memref_slice %arg9[%select_n3A_294] : memref<10x!tpu.dma_semaphore, #tpu.memory_space<semaphore_mem>> -> memref<1x!tpu.dma_semaphore, #tpu.memory_space<semaphore_mem>>
        %dma_start3A_306 = tpu.memref_squeeze %dma_start3A_305 : memref<1x!tpu.dma_semaphore, #tpu.memory_space<semaphore_mem>> -> memref<!tpu.dma_semaphore, #tpu.memory_space<semaphore_mem>>
        tpu.enqueue_indirect_dma source(%dma_start3A_304 : memref<65536x1024xf32, #tpu.memory_space<hbm>>) target(%dma_start3A_300 : memref<8x1024xf32, #tpu.memory_space<vmem>>) offsets(%dma_start3A_301 : memref<8xi32, #tpu.memory_space<vmem>>) semaphore(%dma_start3A_306 : memref<!tpu.dma_semaphore, #tpu.memory_space<semaphore_mem>>)
      } else {
      }
      %jit3A_191 = arith.constant 10 : i32
      %eq3A_192 = arith.constant 0 : i32
      %eq3A_193 = arith.cmpi eq, %jit3A_191, %eq3A_192 : i32
      %jit3A_194 = arith.constant 1 : i32
      %select_n3A_195 = arith.select %eq3A_193, %jit3A_194, %jit3A_191 : i32
      %rem3A_196 = arith.remsi %scan3A_180, %select_n3A_195 : i32
      %ne3A_197 = arith.constant 0 : i32
      %ne3A_198 = arith.cmpi ne, %rem3A_196, %ne3A_197 : i32
      %lt3A_199 = arith.constant 0 : i32
      %lt3A_200 = arith.cmpi slt, %rem3A_196, %lt3A_199 : i32
      %lt3A_201 = arith.constant 0 : i32
      %lt3A_202 = arith.cmpi slt, %select_n3A_195, %lt3A_201 : i32
      %ne3A_203 = arith.xori %lt3A_200, %lt3A_202 : i1
      %and3A_204 = arith.andi %ne3A_203, %ne3A_198 : i1
      %add3A_205 = arith.addi %rem3A_196, %select_n3A_195 : i32
      %select_n3A_206 = arith.select %and3A_204, %add3A_205, %rem3A_196 : i32
      %dma_wait3A_207 = arith.constant 0 : i32
      %dma_wait3A_208 = arith.constant 0 : i32
      %dma_wait3A_209 = tpu.memref_slice %arg7[%dma_wait3A_207, %dma_wait3A_208] : memref<80x1024xf32, #tpu.memory_space<vmem>> -> memref<8x1024xf32, #tpu.memory_space<vmem>>
      %dma_wait3A_210 = arith.constant 0 : i32
      %dma_wait3A_211 = tpu.memref_slice %arg6[%dma_wait3A_210] : memref<2048xi32, #tpu.memory_space<vmem>> -> memref<8xi32, #tpu.memory_space<vmem>>
      %dma_wait3A_212 = arith.constant 0 : i32
      %dma_wait3A_213 = arith.constant 0 : i32
      %dma_wait3A_214 = tpu.memref_slice %arg2[%dma_wait3A_212, %dma_wait3A_213] : memref<65536x1024xf32, #tpu.memory_space<hbm>> -> memref<65536x1024xf32, #tpu.memory_space<hbm>>
      %dma_wait3A_215 = tpu.memref_slice %arg9[%select_n3A_206] : memref<10x!tpu.dma_semaphore, #tpu.memory_space<semaphore_mem>> -> memref<1x!tpu.dma_semaphore, #tpu.memory_space<semaphore_mem>>
      %dma_wait3A_216 = tpu.memref_squeeze %dma_wait3A_215 : memref<1x!tpu.dma_semaphore, #tpu.memory_space<semaphore_mem>> -> memref<!tpu.dma_semaphore, #tpu.memory_space<semaphore_mem>>
      tpu.wait_indirect_dma semaphore(%dma_wait3A_216 : memref<!tpu.dma_semaphore, #tpu.memory_space<semaphore_mem>>) src(%dma_wait3A_214 : memref<65536x1024xf32, #tpu.memory_space<hbm>>) dst(%dma_wait3A_209 : memref<8x1024xf32, #tpu.memory_space<vmem>>)
      %ge3A_217 = arith.constant 3 : i32
      %ge3A_218 = arith.cmpi sge, %scan3A_180, %ge3A_217 : i32
      %convert_element_type3A_219 = arith.extui %ge3A_218 : i1 to i32
      %cond3A_220 = arith.constant 0 : i32
      %cond3A_221 = arith.cmpi ne, %convert_element_type3A_219, %cond3A_220 : i32
      scf.if %cond3A_221 {
        %sub3A_275 = arith.constant 3 : i32
        %sub3A_276 = arith.subi %scan3A_180, %sub3A_275 : i32
        %jit3A_277 = arith.constant 3 : i32
        %eq3A_278 = arith.constant 0 : i32
        %eq3A_279 = arith.cmpi eq, %jit3A_277, %eq3A_278 : i32
        %jit3A_280 = arith.constant 1 : i32
        %select_n3A_281 = arith.select %eq3A_279, %jit3A_280, %jit3A_277 : i32
        %rem3A_282 = arith.remsi %sub3A_276, %select_n3A_281 : i32
        %ne3A_283 = arith.constant 0 : i32
        %ne3A_284 = arith.cmpi ne, %rem3A_282, %ne3A_283 : i32
        %lt3A_285 = arith.constant 0 : i32
        %lt3A_286 = arith.cmpi slt, %rem3A_282, %lt3A_285 : i32
        %lt3A_287 = arith.constant 0 : i32
        %lt3A_288 = arith.cmpi slt, %select_n3A_281, %lt3A_287 : i32
        %ne3A_289 = arith.xori %lt3A_286, %lt3A_288 : i1
        %and3A_290 = arith.andi %ne3A_289, %ne3A_284 : i1
        %add3A_291 = arith.addi %rem3A_282, %select_n3A_281 : i32
        %select_n3A_292 = arith.select %and3A_290, %add3A_291, %rem3A_282 : i32
        %dma_wait3A_293 = tpu.memref_slice %arg11[%select_n3A_292] : memref<3x!tpu.dma_semaphore, #tpu.memory_space<semaphore_mem>> -> memref<1x!tpu.dma_semaphore, #tpu.memory_space<semaphore_mem>>
        %dma_wait3A_294 = tpu.memref_squeeze %dma_wait3A_293 : memref<1x!tpu.dma_semaphore, #tpu.memory_space<semaphore_mem>> -> memref<!tpu.dma_semaphore, #tpu.memory_space<semaphore_mem>>
        %dma_wait3A_295 = arith.constant 0 : i32
        %dma_wait3A_296 = tpu.memref_slice %arg4[%mul3A_49, %dma_wait3A_295] : memref<65536x1024xf32, #tpu.memory_space<hbm>> -> memref<8x1024xf32, #tpu.memory_space<hbm>>
        %dma_wait3A_297 = arith.constant 0 : i32
        %dma_wait3A_298 = arith.constant 0 : i32
        %dma_wait3A_299 = tpu.memref_slice %arg8[%arg1, %dma_wait3A_297, %dma_wait3A_298] : memref<16x24x1024xf32, #tpu.memory_space<vmem_shared>> -> memref<1x24x1024xf32, #tpu.memory_space<vmem_shared>>
        %dma_wait3A_300 = tpu.memref_squeeze %dma_wait3A_299 : memref<1x24x1024xf32, #tpu.memory_space<vmem_shared>> -> memref<24x1024xf32, #tpu.memory_space<vmem_shared>>
        %dma_wait3A_301 = arith.constant 0 : i32
        %dma_wait3A_302 = arith.constant 0 : i32
        %dma_wait3A_303 = tpu.memref_slice %dma_wait3A_300[%dma_wait3A_301, %dma_wait3A_302] : memref<24x1024xf32, #tpu.memory_space<vmem_shared>> -> memref<8x1024xf32, #tpu.memory_space<vmem_shared>>
        tpu.wait_dma2 semaphore(%dma_wait3A_294 : memref<!tpu.dma_semaphore, #tpu.memory_space<semaphore_mem>>) src(%dma_wait3A_303 : memref<8x1024xf32, #tpu.memory_space<vmem_shared>>) dst(%dma_wait3A_296 : memref<8x1024xf32, #tpu.memory_space<hbm>>)
      } else {
      }
      %jit3A_222 = arith.constant 10 : i32
      %eq3A_223 = arith.constant 0 : i32
      %eq3A_224 = arith.cmpi eq, %jit3A_222, %eq3A_223 : i32
      %jit3A_225 = arith.constant 1 : i32
      %select_n3A_226 = arith.select %eq3A_224, %jit3A_225, %jit3A_222 : i32
      %rem3A_227 = arith.remsi %scan3A_180, %select_n3A_226 : i32
      %ne3A_228 = arith.constant 0 : i32
      %ne3A_229 = arith.cmpi ne, %rem3A_227, %ne3A_228 : i32
      %lt3A_230 = arith.constant 0 : i32
      %lt3A_231 = arith.cmpi slt, %rem3A_227, %lt3A_230 : i32
      %lt3A_232 = arith.constant 0 : i32
      %lt3A_233 = arith.cmpi slt, %select_n3A_226, %lt3A_232 : i32
      %ne3A_234 = arith.xori %lt3A_231, %lt3A_233 : i1
      %and3A_235 = arith.andi %ne3A_234, %ne3A_229 : i1
      %add3A_236 = arith.addi %rem3A_227, %select_n3A_226 : i32
      %select_n3A_237 = arith.select %and3A_235, %add3A_236, %rem3A_227 : i32
      %mul3A_238 = arith.constant 8 : i32
      %mul3A_239 = arith.muli %select_n3A_237, %mul3A_238 : i32
      %jit3A_240 = arith.constant 3 : i32
      %eq3A_241 = arith.constant 0 : i32
      %eq3A_242 = arith.cmpi eq, %jit3A_240, %eq3A_241 : i32
      %jit3A_243 = arith.constant 1 : i32
      %select_n3A_244 = arith.select %eq3A_242, %jit3A_243, %jit3A_240 : i32
      %rem3A_245 = arith.remsi %scan3A_180, %select_n3A_244 : i32
      %ne3A_246 = arith.constant 0 : i32
      %ne3A_247 = arith.cmpi ne, %rem3A_245, %ne3A_246 : i32
      %lt3A_248 = arith.constant 0 : i32
      %lt3A_249 = arith.cmpi slt, %rem3A_245, %lt3A_248 : i32
      %lt3A_250 = arith.constant 0 : i32
      %lt3A_251 = arith.cmpi slt, %select_n3A_244, %lt3A_250 : i32
      %ne3A_252 = arith.xori %lt3A_249, %lt3A_251 : i1
      %and3A_253 = arith.andi %ne3A_252, %ne3A_247 : i1
      %add3A_254 = arith.addi %rem3A_245, %select_n3A_244 : i32
      %select_n3A_255 = arith.select %and3A_253, %add3A_254, %rem3A_245 : i32
      %mul3A_256 = arith.constant 8 : i32
      %mul3A_257 = arith.muli %select_n3A_255, %mul3A_256 : i32
      %dma_start3A_258 = arith.constant 0 : i32
      %dma_start3A_259 = tpu.memref_slice %arg7[%mul3A_239, %dma_start3A_258] : memref<80x1024xf32, #tpu.memory_space<vmem>> -> memref<8x1024xf32, #tpu.memory_space<vmem>>
      %dma_start3A_260 = arith.constant 0 : i32
      %dma_start3A_261 = arith.constant 0 : i32
      %dma_start3A_262 = tpu.memref_slice %arg8[%arg1, %dma_start3A_260, %dma_start3A_261] : memref<16x24x1024xf32, #tpu.memory_space<vmem_shared>> -> memref<1x24x1024xf32, #tpu.memory_space<vmem_shared>>
      %dma_start3A_263 = tpu.memref_squeeze %dma_start3A_262 : memref<1x24x1024xf32, #tpu.memory_space<vmem_shared>> -> memref<24x1024xf32, #tpu.memory_space<vmem_shared>>
      %dma_start3A_264 = arith.constant 0 : i32
      %dma_start3A_265 = tpu.memref_slice %dma_start3A_263[%mul3A_257, %dma_start3A_264] : memref<24x1024xf32, #tpu.memory_space<vmem_shared>> -> memref<8x1024xf32, #tpu.memory_space<vmem_shared>>
      %dma_start3A_266 = arith.constant 0 : i32
      %dma_start3A_267 = arith.constant 0 : i32
      %dma_start3A_268 = tpu.memref_slice %arg8[%arg1, %dma_start3A_266, %dma_start3A_267] : memref<16x24x1024xf32, #tpu.memory_space<vmem_shared>> -> memref<1x24x1024xf32, #tpu.memory_space<vmem_shared>>
      %dma_start3A_269 = tpu.memref_squeeze %dma_start3A_268 : memref<1x24x1024xf32, #tpu.memory_space<vmem_shared>> -> memref<24x1024xf32, #tpu.memory_space<vmem_shared>>
      %dma_start3A_270 = arith.constant 0 : i32
      %dma_start3A_271 = tpu.memref_slice %dma_start3A_269[%mul3A_257, %dma_start3A_270] : memref<24x1024xf32, #tpu.memory_space<vmem_shared>> -> memref<8x1024xf32, #tpu.memory_space<vmem_shared>>
      %dma_start3A_272 = arith.constant 0 : i32
      %dma_start3A_273 = tpu.memref_slice %arg7[%mul3A_239, %dma_start3A_272] : memref<80x1024xf32, #tpu.memory_space<vmem>> -> memref<8x1024xf32, #tpu.memory_space<vmem>>
      tpu.enqueue_dma source(%dma_start3A_273 : memref<8x1024xf32, #tpu.memory_space<vmem>>) target(%dma_start3A_271 : memref<8x1024xf32, #tpu.memory_space<vmem_shared>>) target_semaphore(%arg10 : memref<!tpu.dma_semaphore, #tpu.memory_space<semaphore_mem>>)
      %scan3A_274 = arith.constant 0 : i32
      scf.yield %scan3A_274 : i32
    }
    %scan3A_110 = arith.constant 256 : i32
    %dma_wait3A = arith.constant 0 : i32
    %dma_wait3A_111 = arith.constant 0 : i32
    %dma_wait3A_112 = tpu.memref_slice %arg7[%dma_wait3A, %dma_wait3A_111] : memref<80x1024xf32, #tpu.memory_space<vmem>> -> memref<8x1024xf32, #tpu.memory_space<vmem>>
    %dma_wait3A_113 = arith.constant 0 : i32
    %dma_wait3A_114 = arith.constant 0 : i32
    %dma_wait3A_115 = tpu.memref_slice %arg8[%arg1, %dma_wait3A_113, %dma_wait3A_114] : memref<16x24x1024xf32, #tpu.memory_space<vmem_shared>> -> memref<1x24x1024xf32, #tpu.memory_space<vmem_shared>>
    %dma_wait3A_116 = tpu.memref_squeeze %dma_wait3A_115 : memref<1x24x1024xf32, #tpu.memory_space<vmem_shared>> -> memref<24x1024xf32, #tpu.memory_space<vmem_shared>>
    %dma_wait3A_117 = arith.constant 0 : i32
    %dma_wait3A_118 = arith.constant 0 : i32
    %dma_wait3A_119 = tpu.memref_slice %dma_wait3A_116[%dma_wait3A_117, %dma_wait3A_118] : memref<24x1024xf32, #tpu.memory_space<vmem_shared>> -> memref<8x1024xf32, #tpu.memory_space<vmem_shared>>
    %dma_wait3A_120 = arith.constant 0 : i32
    %dma_wait3A_121 = arith.constant 0 : i32
    %dma_wait3A_122 = tpu.memref_slice %arg8[%arg1, %dma_wait3A_120, %dma_wait3A_121] : memref<16x24x1024xf32, #tpu.memory_space<vmem_shared>> -> memref<1x24x1024xf32, #tpu.memory_space<vmem_shared>>
    %dma_wait3A_123 = tpu.memref_squeeze %dma_wait3A_122 : memref<1x24x1024xf32, #tpu.memory_space<vmem_shared>> -> memref<24x1024xf32, #tpu.memory_space<vmem_shared>>
    %dma_wait3A_124 = arith.constant 0 : i32
    %dma_wait3A_125 = arith.constant 0 : i32
    %dma_wait3A_126 = tpu.memref_slice %dma_wait3A_123[%dma_wait3A_124, %dma_wait3A_125] : memref<24x1024xf32, #tpu.memory_space<vmem_shared>> -> memref<8x1024xf32, #tpu.memory_space<vmem_shared>>
    %dma_wait3A_127 = arith.constant 0 : i32
    %dma_wait3A_128 = arith.constant 0 : i32
    %dma_wait3A_129 = tpu.memref_slice %arg7[%dma_wait3A_127, %dma_wait3A_128] : memref<80x1024xf32, #tpu.memory_space<vmem>> -> memref<8x1024xf32, #tpu.memory_space<vmem>>
    tpu.wait_dma2 semaphore(%arg10 : memref<!tpu.dma_semaphore, #tpu.memory_space<semaphore_mem>>) src(%dma_wait3A_129 : memref<8x1024xf32, #tpu.memory_space<vmem>>) dst(%dma_wait3A_126 : memref<8x1024xf32, #tpu.memory_space<vmem_shared>>)
    %add3A_130 = arith.constant 2040 : i32
    %add3A_131 = arith.addi %mul3A_49, %add3A_130 : i32
    %dma_start3A_132 = arith.constant 0 : i32
    %dma_start3A_133 = tpu.memref_slice %arg11[%dma_start3A_132] : memref<3x!tpu.dma_semaphore, #tpu.memory_space<semaphore_mem>> -> memref<1x!tpu.dma_semaphore, #tpu.memory_space<semaphore_mem>>
    %dma_start3A_134 = tpu.memref_squeeze %dma_start3A_133 : memref<1x!tpu.dma_semaphore, #tpu.memory_space<semaphore_mem>> -> memref<!tpu.dma_semaphore, #tpu.memory_space<semaphore_mem>>
    %dma_start3A_135 = arith.constant 0 : i32
    %dma_start3A_136 = tpu.memref_slice %arg4[%add3A_131, %dma_start3A_135] : memref<65536x1024xf32, #tpu.memory_space<hbm>> -> memref<8x1024xf32, #tpu.memory_space<hbm>>
    %dma_start3A_137 = arith.constant 0 : i32
    %dma_start3A_138 = arith.constant 0 : i32
    %dma_start3A_139 = tpu.memref_slice %arg8[%arg1, %dma_start3A_137, %dma_start3A_138] : memref<16x24x1024xf32, #tpu.memory_space<vmem_shared>> -> memref<1x24x1024xf32, #tpu.memory_space<vmem_shared>>
    %dma_start3A_140 = tpu.memref_squeeze %dma_start3A_139 : memref<1x24x1024xf32, #tpu.memory_space<vmem_shared>> -> memref<24x1024xf32, #tpu.memory_space<vmem_shared>>
    %dma_start3A_141 = arith.constant 0 : i32
    %dma_start3A_142 = arith.constant 0 : i32
    %dma_start3A_143 = tpu.memref_slice %dma_start3A_140[%dma_start3A_141, %dma_start3A_142] : memref<24x1024xf32, #tpu.memory_space<vmem_shared>> -> memref<8x1024xf32, #tpu.memory_space<vmem_shared>>
    tpu.enqueue_dma source(%dma_start3A_143 : memref<8x1024xf32, #tpu.memory_space<vmem_shared>>) target(%dma_start3A_136 : memref<8x1024xf32, #tpu.memory_space<hbm>>) target_semaphore(%dma_start3A_134 : memref<!tpu.dma_semaphore, #tpu.memory_space<semaphore_mem>>)
    %dma_wait3A_144 = arith.constant 1 : i32
    %dma_wait3A_145 = tpu.memref_slice %arg11[%dma_wait3A_144] : memref<3x!tpu.dma_semaphore, #tpu.memory_space<semaphore_mem>> -> memref<1x!tpu.dma_semaphore, #tpu.memory_space<semaphore_mem>>
    %dma_wait3A_146 = tpu.memref_squeeze %dma_wait3A_145 : memref<1x!tpu.dma_semaphore, #tpu.memory_space<semaphore_mem>> -> memref<!tpu.dma_semaphore, #tpu.memory_space<semaphore_mem>>
    %dma_wait3A_147 = arith.constant 0 : i32
    %dma_wait3A_148 = tpu.memref_slice %arg4[%mul3A_49, %dma_wait3A_147] : memref<65536x1024xf32, #tpu.memory_space<hbm>> -> memref<8x1024xf32, #tpu.memory_space<hbm>>
    %dma_wait3A_149 = arith.constant 0 : i32
    %dma_wait3A_150 = arith.constant 0 : i32
    %dma_wait3A_151 = tpu.memref_slice %arg8[%arg1, %dma_wait3A_149, %dma_wait3A_150] : memref<16x24x1024xf32, #tpu.memory_space<vmem_shared>> -> memref<1x24x1024xf32, #tpu.memory_space<vmem_shared>>
    %dma_wait3A_152 = tpu.memref_squeeze %dma_wait3A_151 : memref<1x24x1024xf32, #tpu.memory_space<vmem_shared>> -> memref<24x1024xf32, #tpu.memory_space<vmem_shared>>
    %dma_wait3A_153 = arith.constant 0 : i32
    %dma_wait3A_154 = arith.constant 0 : i32
    %dma_wait3A_155 = tpu.memref_slice %dma_wait3A_152[%dma_wait3A_153, %dma_wait3A_154] : memref<24x1024xf32, #tpu.memory_space<vmem_shared>> -> memref<8x1024xf32, #tpu.memory_space<vmem_shared>>
    tpu.wait_dma2 semaphore(%dma_wait3A_146 : memref<!tpu.dma_semaphore, #tpu.memory_space<semaphore_mem>>) src(%dma_wait3A_155 : memref<8x1024xf32, #tpu.memory_space<vmem_shared>>) dst(%dma_wait3A_148 : memref<8x1024xf32, #tpu.memory_space<hbm>>)
    %dma_wait3A_156 = arith.constant 2 : i32
    %dma_wait3A_157 = tpu.memref_slice %arg11[%dma_wait3A_156] : memref<3x!tpu.dma_semaphore, #tpu.memory_space<semaphore_mem>> -> memref<1x!tpu.dma_semaphore, #tpu.memory_space<semaphore_mem>>
    %dma_wait3A_158 = tpu.memref_squeeze %dma_wait3A_157 : memref<1x!tpu.dma_semaphore, #tpu.memory_space<semaphore_mem>> -> memref<!tpu.dma_semaphore, #tpu.memory_space<semaphore_mem>>
    %dma_wait3A_159 = arith.constant 0 : i32
    %dma_wait3A_160 = tpu.memref_slice %arg4[%mul3A_49, %dma_wait3A_159] : memref<65536x1024xf32, #tpu.memory_space<hbm>> -> memref<8x1024xf32, #tpu.memory_space<hbm>>
    %dma_wait3A_161 = arith.constant 0 : i32
    %dma_wait3A_162 = arith.constant 0 : i32
    %dma_wait3A_163 = tpu.memref_slice %arg8[%arg1, %dma_wait3A_161, %dma_wait3A_162] : memref<16x24x1024xf32, #tpu.memory_space<vmem_shared>> -> memref<1x24x1024xf32, #tpu.memory_space<vmem_shared>>
    %dma_wait3A_164 = tpu.memref_squeeze %dma_wait3A_163 : memref<1x24x1024xf32, #tpu.memory_space<vmem_shared>> -> memref<24x1024xf32, #tpu.memory_space<vmem_shared>>
    %dma_wait3A_165 = arith.constant 0 : i32
    %dma_wait3A_166 = arith.constant 0 : i32
    %dma_wait3A_167 = tpu.memref_slice %dma_wait3A_164[%dma_wait3A_165, %dma_wait3A_166] : memref<24x1024xf32, #tpu.memory_space<vmem_shared>> -> memref<8x1024xf32, #tpu.memory_space<vmem_shared>>
    tpu.wait_dma2 semaphore(%dma_wait3A_158 : memref<!tpu.dma_semaphore, #tpu.memory_space<semaphore_mem>>) src(%dma_wait3A_167 : memref<8x1024xf32, #tpu.memory_space<vmem_shared>>) dst(%dma_wait3A_160 : memref<8x1024xf32, #tpu.memory_space<hbm>>)
    %dma_wait3A_168 = arith.constant 0 : i32
    %dma_wait3A_169 = tpu.memref_slice %arg11[%dma_wait3A_168] : memref<3x!tpu.dma_semaphore, #tpu.memory_space<semaphore_mem>> -> memref<1x!tpu.dma_semaphore, #tpu.memory_space<semaphore_mem>>
    %dma_wait3A_170 = tpu.memref_squeeze %dma_wait3A_169 : memref<1x!tpu.dma_semaphore, #tpu.memory_space<semaphore_mem>> -> memref<!tpu.dma_semaphore, #tpu.memory_space<semaphore_mem>>
    %dma_wait3A_171 = arith.constant 0 : i32
    %dma_wait3A_172 = tpu.memref_slice %arg4[%mul3A_49, %dma_wait3A_171] : memref<65536x1024xf32, #tpu.memory_space<hbm>> -> memref<8x1024xf32, #tpu.memory_space<hbm>>
    %dma_wait3A_173 = arith.constant 0 : i32
    %dma_wait3A_174 = arith.constant 0 : i32
    %dma_wait3A_175 = tpu.memref_slice %arg8[%arg1, %dma_wait3A_173, %dma_wait3A_174] : memref<16x24x1024xf32, #tpu.memory_space<vmem_shared>> -> memref<1x24x1024xf32, #tpu.memory_space<vmem_shared>>
    %dma_wait3A_176 = tpu.memref_squeeze %dma_wait3A_175 : memref<1x24x1024xf32, #tpu.memory_space<vmem_shared>> -> memref<24x1024xf32, #tpu.memory_space<vmem_shared>>
    %dma_wait3A_177 = arith.constant 0 : i32
    %dma_wait3A_178 = arith.constant 0 : i32
    %dma_wait3A_179 = tpu.memref_slice %dma_wait3A_176[%dma_wait3A_177, %dma_wait3A_178] : memref<24x1024xf32, #tpu.memory_space<vmem_shared>> -> memref<8x1024xf32, #tpu.memory_space<vmem_shared>>
    tpu.wait_dma2 semaphore(%dma_wait3A_170 : memref<!tpu.dma_semaphore, #tpu.memory_space<semaphore_mem>>) src(%dma_wait3A_179 : memref<8x1024xf32, #tpu.memory_space<vmem_shared>>) dst(%dma_wait3A_172 : memref<8x1024xf32, #tpu.memory_space<hbm>>)
    return
  }
}

</mosaic_0001>

<sc_bundles>
// kernel: kernel.3.cloned.1.call-start
scs
__scs_entry_jumppad:
0x0: {  	(pc) =	sbr.rel $0x88, $3  }
0x1: {  	(tag) =	ssettag $0x0;
	lr =	simm.s32 $0x1  }
0x2: {  	[smem:$0x3F9F] =	sst lr;
	_ =	strace $0xD0000000  }
0x3: {  	_ = 	snop  }
0x4: {  	_ = 	snop  }
0x5: {  	_ = 	snop  }
0x6: {  	_ = 	snop  }
0x7: {  	_ = 	snop  }
__scs_overlays_trampoline_lowered:
0x8: {  	[smem:$0x3FAE] =	sst s0  }
0x9: {  	[smem:$0x3FAF] =	sst s1  }
0xa: {  	[smem:$0x3FB0] =	sst s2  }
0xb: {  	[smem:$0x3FB1] =	sst s3  }
0xc: {  	[smem:$0x3FB2] =	sst s4  }
0xd: {  	[smem:$0x3FB3] =	sst s5  }
0xe: {  	[smem:$0x3FB4] =	sst s6  }
0xf: {  	[smem:$0x3FB5] =	sst s7  }
0x10: {  	[smem:$0x3FB6] =	sst s8  }
0x11: {  	[smem:$0x3FB7] =	sst s9;
	s0 =	simm.s32 @!p0 $0x0  }
0x12: {  	s1 =	sld [smem:$0x3F9D];
	s0 =	simm.s32 @p0 $0x1  }
0x13: {  	[smem:$0x3FB8] =	sst s0;
	s0 =	simm.s32 @!p1 $0x0  }
0x14: {  	s2 =	sld [smem:$0x3F9C];
	s0 =	simm.s32 @p1 $0x1  }
0x15: {  	[smem:$0x3FB9] =	sst s0;
	s0 =	simm.s32 @!p2 $0x0  }
0x16: {  	s3 =	sld [smem:$0x3FDB];
	s0 =	simm.s32 @p2 $0x1  }
0x17: {  	s4 =	simm.s32 $0x1BF5;
	[smem:$0x3FBB] =	sst s0  }
0x18: {  	s0 =	sld [smem:$0x3F9E];
	_ =	swait.ge [sflag:s4], $0x0  }
0x19: {  	s7 =	sld [smem:$0x3F9F]  }
0x1a: {  	s8 =	sadd.s32 $0xFFFFE003, lr  }
0x1b: {  	s9 =	sadd.s32 $0xFFFFFEF7, lr;
	s5 =	simm.s32 $0xFFFFFFFF;
	p2 =	slt.u32 s8, $0xFFFFF086  }
0x1c: {  	p1 =	slt.u32 s9, $0xF7A;
	s5 =	simm.s32 @!p2 $0x0  }
0x1d: {  	s5 =	simm.s32 @p1 $0x1;
	p0 =	seq.s32 s7, s2  }
0x1e: {  	s7 =	smul.u32 @!p0 $0xF7A, s2;
	p2 =	seq.s32 @!p0 s5, $0x0  }
0x1f: {  	s9 =	smul.u32 $0xF7A, s1;
	s8 =	simm.s32 @!p0 $0x1BF5;
	p2 =	por !p2, p0  }
0x20: {  	[sflag:s8] =	ssyncset.s32 @!p0 $0xFFFFF086;
	s6 =	sadd.s32 @!p0 s3, s7;
	s7 =	simm.s32 @!p0 $0x108  }
0x21: {  	s3 =	sadd.s32 s3, s9;
	s6 =	sadd.s32 @!p0 $0x88, s6;
	s7 =	simm.s32 @p2 $0x1082  }
0x22: {  	[simem:s7], [sflag:s8] =	dma.local @!p0 [hbm:s6], $0xF7A  }
0x23: {  	s9 =	sor.u32 $0xD0000000, s2;
	s6 =	simm.s32 $0x108;
	_ =	swait.ge @!p0 [sflag:s8], $0x0  }
0x24: {  	s3 =	sadd.s32 $0x88, s3;
	s6 =	simm.s32 @!p1 $0x1082;
	[sflag:s4] =	ssyncset.s32 $0xFFFFF086  }
0x25: {  	[simem:s6], [sflag:s4] =	dma.local [hbm:s3], $0xF7A  }
0x26: {  	[smem:$0x3F9F] =	sst s1;
	(tag) =	ssettag s2;
	_ =	strace s9  }
0x27: {  	s1 =	sld [smem:$0x3FAF]  }
0x28: {  	s2 =	sld [smem:$0x3FB0]  }
0x29: {  	s4 =	sld [smem:$0x3FB2]  }
0x2a: {  	p0 =	seq.s32 s5, $0x0;
	s5 =	sld [smem:$0x3FB3]  }
0x2b: {  	s6 =	sld [smem:$0x3FB4]  }
0x2c: {  	s7 =	sld [smem:$0x3FB5]  }
0x2d: {  	s3 =	simm.s32 $0x108;
	s8 =	sld [smem:$0x3FB6]  }
0x2e: {  	s3 =	simm.s32 @!p0 $0x1082;
	s9 =	sld [smem:$0x3FB7]  }
0x2f: {  	lr =	sadd.s32 s0, s3;
	s0 =	sld [smem:$0x3FAE]  }
0x30: {  	s3 =	sld [smem:$0x3FB1]  }
0x31: {  	[smem:$0x3FBA] =	sst s10  }
0x32: {  	s10 =	sld [smem:$0x3FB8];
	_ =	sdelay $0x3  }
0x33: {  	p0 =	seq.s32 s10, $0x1;
	s10 =	sld [smem:$0x3FBA];
	_ =	sdelay $0x3  }
0x34: {  	[smem:$0x3FBA] =	sst s10  }
0x35: {  	s10 =	sld [smem:$0x3FB9];
	_ =	sdelay $0x3  }
0x36: {  	p1 =	seq.s32 s10, $0x1;
	s10 =	sld [smem:$0x3FBA];
	_ =	sdelay $0x3  }
0x37: {  	[smem:$0x3FBA] =	sst s10  }
0x38: {  	s10 =	sld [smem:$0x3FBB]  }
0x39: {  	_ = 	snop;
	(pc) =	sbr.ind lr, $3  }
0x3a: {  	_ = 	snop  }
0x3b: {  	_ = 	snop  }
0x3c: {  	p2 =	seq.s32 s10, $0x1;
	s10 =	sld [smem:$0x3FBA]  }
0x3d: {  	_ =	shalt  }
0x3e: {  	_ =	shalt  }
0x3f: {  	_ =	shalt  }
0x40: {  	_ =	shalt  }
0x41: {  	_ =	shalt  }
0x42: {  	_ =	shalt  }
0x43: {  	_ =	shalt  }
0x44: {  	_ =	shalt  }
0x45: {  	_ =	shalt  }
0x46: {  	_ =	shalt  }
0x47: {  	_ =	shalt  }
0x48: {  	_ =	shalt  }
0x49: {  	_ =	shalt  }
0x4a: {  	_ =	shalt  }
0x4b: {  	_ =	shalt  }
0x4c: {  	_ =	shalt  }
0x4d: {  	_ =	shalt  }
0x4e: {  	_ =	shalt  }
0x4f: {  	_ =	shalt  }
0x50: {  	_ =	shalt  }
0x51: {  	_ =	shalt  }
0x52: {  	_ =	shalt  }
0x53: {  	_ =	shalt  }
0x54: {  	_ =	shalt  }
0x55: {  	_ =	shalt  }
0x56: {  	_ =	shalt  }
0x57: {  	_ =	shalt  }
0x58: {  	_ =	shalt  }
0x59: {  	_ =	shalt  }
0x5a: {  	_ =	shalt  }
0x5b: {  	_ =	shalt  }
0x5c: {  	_ =	shalt  }
0x5d: {  	_ =	shalt  }
0x5e: {  	_ =	shalt  }
0x5f: {  	_ =	shalt  }
0x60: {  	_ =	shalt  }
0x61: {  	_ =	shalt  }
0x62: {  	_ =	shalt  }
0x63: {  	_ =	shalt  }
0x64: {  	_ =	shalt  }
0x65: {  	_ =	shalt  }
0x66: {  	_ =	shalt  }
0x67: {  	_ =	shalt  }
0x68: {  	_ =	shalt  }
0x69: {  	_ =	shalt  }
0x6a: {  	_ =	shalt  }
0x6b: {  	_ =	shalt  }
0x6c: {  	_ =	shalt  }
0x6d: {  	_ =	shalt  }
0x6e: {  	_ =	shalt  }
0x6f: {  	_ =	shalt  }
0x70: {  	_ =	shalt  }
0x71: {  	_ =	shalt  }
0x72: {  	_ =	shalt  }
0x73: {  	_ =	shalt  }
0x74: {  	_ =	shalt  }
0x75: {  	_ =	shalt  }
0x76: {  	_ =	shalt  }
0x77: {  	_ =	shalt  }
0x78: {  	_ =	shalt  }
0x79: {  	_ =	shalt  }
0x7a: {  	_ =	shalt  }
0x7b: {  	_ =	shalt  }
0x7c: {  	_ =	shalt  }
0x7d: {  	_ =	shalt  }
0x7e: {  	_ =	shalt  }
0x7f: {  	_ =	shalt  }
0x80: {  	_ =	shalt  }
0x81: {  	_ =	shalt  }
0x82: {  	_ =	shalt  }
0x83: {  	_ =	shalt  }
0x84: {  	_ =	shalt  }
0x85: {  	_ =	shalt  }
0x86: {  	_ =	shalt  }
0x87: {  	_ =	shalt  }
.Lfunc_end0:
.L_simem_size_0:
called_computation_lowered:
.L_overlay_start_0:
0x88: {  	s2 =	sld [smem:$0x3FD9]  }
0x89: {  	s3 =	sld [smem:$0x3FFE];
	_ =	sdelay $0x1  }
0x8a: {  	s1 =	srdreg.scid  }
0x8b: {  	s0 =	sand.u32 $0x1, s1  }
0x8c: {  	s17 =	sshll.u32 s0, $0xA;
	s2 =	sadd.s32 s3, s2  }
0x8d: {  	s2 =	sadd.s32 s2, s17  }
0x8e: {  	[smem:$0x3FC6] =	sst s2  }
0x8f: {  	_ = 	snop  }
0x90: {  	s2 =	sld [smem:$0x3FC9]  }
0x91: {  	s18 =	sld [smem:$0x3FD0];
	(tm) =	ssettm $0x1  }
0x92: {  	s4 =	sld [smem:$0x3FFB];
	_ =	sdelay $0x3  }
0x93: {  	_ =	strace s4  }
0x94: {  	s4 =	sld [smem:$0x3FFC];
	_ =	sdelay $0x3  }
0x95: {  	_ =	strace s4  }
0x96: {  	s4 =	sld [smem:$0x3FFD];
	_ =	sdelay $0x3  }
0x97: {  	_ =	strace s4  }
0x98: {  	_ =	strace $0x8FFFFFFF  }
0x99: {  	s19 =	sld [smem:$0x3FDB];
	_ =	sdelay $0x1  }
0x9a: {  	s5 =	simm.s32 $_scs_section_size  }
0x9b: {  	s6 =	simm.s32 $_size__tile_overlayer_lowered;
	s7 =	simm.s32 $_tile_overlayer_lowered  }
0x9c: {  	s22 =	simm.s32 $0x1BFF;
	s21 =	sshll.u32 s7, $0x1;
	s4 =	sadd.s32 s5, s19  }
0x9d: {  	s8 =	simm.s32 $0x0;
	s20 =	sshll.u32 s6, $0x1;
	s6 =	sadd.s32 s21, s4  }
0x9e: {  	[timem:s8], [sflag:s22] =	dma.local [hbm:s6], s20  }
0x9f: {  	_ =	swait.ge [sflag:s22], s20  }
0xa0: {  	s5 =	ssub.s32 $0x0, s20;
	[sflag:s22] =	ssyncset.done $0x0  }
0xa1: {  	[sflag:s22] =	ssyncadd.s32 s5;
	_ =	sdelay $0x1  }
0xa2: {  	s23 =	simm.s32 $0x1B8B  }
0xa3: {  	_ =	swait.ge [sflag:s23], $0x1  }
0xa4: {  	[sflag:s23] =	ssyncset.done $0x0  }
0xa5: {  	s25 =	simm.s32 $0x1B8E;
	s24 =	sld [smem:$0x3FFE];
	[sflag:s23] =	ssyncadd.s32 $0xFFFFFFFF  }
0xa6: {  	s26 =	simm.s32 $execute0_lowered;
	[smem:$0x3FD2] =	sst s25  }
0xa7: {  	s6 =	sshll.u32 s26, $0x1;
	_ =	strace $0x80000046;
	[dreg:$0x1] =	wrdreg $0xFFFFFFFF  }
0xa8: {  	s28 =	simm.s32 $_size_execute0_lowered;
	s4 =	sadd.s32 s4, s6;
	[dreg:$0x0] =	wrdreg $0x0  }
0xa9: {  	s6 =	sshll.u32 s28, $0x1;
	[dreg:$0x2] =	wrdreg s4  }
0xaa: {  	[dreg:$0x3] =	wrdreg s6  }
0xab: {  	[dreg:$0x4] =	wrdreg $0xC0  }
0xac: {  	_ =	task [dreg:s8], $0x5FFFF  }
0xad: {  	[dreg:$0x1] =	wrdreg $0xFFFFFFFF  }
0xae: {  	[dreg:$0x0] =	wrdreg $0x60  }
0xaf: {  	[dreg:$0x2] =	wrdreg s2  }
0xb0: {  	[dreg:$0x3] =	wrdreg s24  }
0xb1: {  	[dreg:$0x4] =	wrdreg s18  }
0xb2: {  	[dreg:$0x5] =	wrdreg $0x158000  }
0xb3: {  	[dreg:$0x6] =	wrdreg $0x9  }
0xb4: {  	_ =	task.clear_ibuf [dreg:s8], $0x7FFFF;
	_ =	strace $0x90000046  }
0xb5: {  	s29 =	simm.s32 $0x9;
	_ =	strace $0x80000048  }
0xb6: {  	_ =	swait.ge [sflag:s29], $0x1  }
0xb7: {  	[sflag:s29] =	ssyncadd.s32 $0xFFFFFFFF  }
0xb8: {  	_ =	strace $0x90000048  }
0xb9: {  	_ =	sfence  }
0xba: {  	s30 =	sld [smem:$0x0];
	_ =	sdelay $0x2  }
0xbb: {  	s31 =	sshll.u32 s1, $0xD;
	s1 =	sshrl.u32 s1, $0x2  }
0xbc: {  	s3 =	sand.u32 $0x4000, s31;
	s1 =	sadd.s32 s1, s30  }
0xbd: {  	s0 =	sor.u32 s3, s0;
	s1 =	sshll.u32 s1, $0x11  }
0xbe: {  	s0 =	sor.u32 s1, s0  }
0xbf: {  	s0 =	sadd.s32 $0x8F2B, s0  }
0xc0: {  	[sflag:s0] =	ssyncadd.remote.s32 $0x1  }
0xc1: {  	_ =	sfence.sel $0xFFFF  }
0xc2: {  	[dreg:$0x0] =	wrdreg $0xFFFFFFFF;
	(pc) =	sbr.abs _section_cstart, $3  }
0xc3: {  	[dreg:$0x1] =	wrdreg $0xFFFFFFFF  }
0xc4: {  	_ =	task.clear_ibuf [dreg:s8], $0x2FFFF;
	_ =	strace $0x9FFFFFFF  }
0xc5: {  	(tm) =	ssettm $0x7FFFFFFF  }
tec
execute0_lowered:
.L_overlay_start_1:
0x0: {  	(tag) =	ssettag $0x1  }
0x1: {  	s1 =	srdreg.scid;
	s6 =	rddreg [dreg:$0x1]  }
0x2: {  	s0 =	stileid.u32;
	s3 =	simm.s32 $0x1;
	s10 =	rddreg [dreg:$0x3]  }
0x3: {  	s16 =	simm.s32 $0xF;
	s17 =	simm.s32 $0x1000;
	s19 =	simm.s32 $0xA000  }
0x4: {  	s20 =	simm.s32 $0xA800;
	s22 =	simm.s32 $0xB;
	s23 =	simm.s32 $0xD  }
0x5: {  	s24 =	simm.s32 $0xE;
	s25 =	simm.s32 $0xC;
	s2 =	sand.u32 $0x1, s1  }
0x6: {  	s26 =	sshll.u32 s0, $0x1;
	s1 =	rddreg [dreg:$0x0];
	s9 =	smul.u32 $0x18000, s0  }
0x7: {  	s31 =	sshll.u32 s0, $0x16;
	s11 =	sor.u32 s2, s26;
	p1 =	seq.s32 s2, $0x1  }
0x8: {  	s28 =	ssub.s32 $0x2, s2;
	s13 =	sshll.u32 s2, $0xB;
	s2 =	sshll.u32 s2, $0x15  }
0x9: {  	s26 =	simm.s32 $0x0;
	p0 =	seq.s32 s11, $0x0;
	s30 =	sshrl.u32 s28, $0x1  }
0xa: {  	s21 =	sadd.s32 $0x800, s13;
	s14 =	sshrl.u32 s9, $0x2;
	p0 =	por !p0, !p1  }
0xb: {  	s9 =	sadd.s32 $0x300, s1;
	s11 =	sshll.u32 s11, $0x12;
	p0 =	por !p0, !p0  }
0xc: {  	s2 =	sor.u32 s2, s31;
	s12 =	ssub.s32 s28, s30;
	s3 =	simm.s32 @!p0 $0x0  }
0xd: {  	s10 =	sadd.s32 s14, s10;
	s29 =	sadd.s32 $0xFFFFE000, s2;
	s5 =	ssub.s32 s0, s3  }
0xe: {  	v2 =	vmov s21;
	s21 =	simm.s32 $0xB000;
	s4 =	sshll.u32 s5, $0xC;
	s5 =	sshll.u32 s5, $0x7  }
0xf: {  	s3 =	rddreg [dreg:$0x2];
	s7 =	sand.u32 $0xFFFF8000, s4;
	s8 =	sand.u32 $0x380, s5  }
0x10: {  	s12 =	smax.u32 s12, $0x1;
	s11 =	sadd.s32 s11, s3;
	s7 =	sor.u32 s8, s7  }
0x11: {  	v1 =	vlaneseq.u32;
	s5 =	simm.s32 $0x0;
	s11 =	sadd.s32 $0x3FC00, s11;
	s7 =	sshrl.u32 s7, $0x3  }
0x12: {  	vm0 =	vmmov $0xffff;
	v5 =	vshrl.u32 v1, $0x3;
	v4 =	vand.u32 $0x7, v1;
	[smem:$0x7FF] =	sst s5;
	s8 =	sadd.s32 $0x200, s1;
	s6 =	sadd.s32 s7, s6  }
0x13: {  	v5 =	vmul.u32 $0x8, v5;
	v0 =	vmov s13;
	v3 =	vmov s4;
	_ =	strace $0x80000047;
	s7 =	sadd.s32 $0x100, s1;
	s6 =	sadd.s32 $0x400, s6  }
.LBB2_1:
0x14: {  	s2 =	simm.s32 $0x80;
	s13 =	simm.s32 $0x400  }
0x15: {  	[tilespmem:s5], [sflag:$0xF] =	stream.strided.gather [hbm4b:s6+s2], $0x1000, s13, s2, $0x38;
	[tilespmem:$0x1B800] =	vst v63  }
0x16: {  	_ =	swait.ge [sflag:s16], $0x1000  }
0x17: {  	[sflag:s16] =	ssyncset.done $0x0  }
0x18: {  	s13 =	simm.s32 $0x0;
	[sflag:s16] =	ssyncadd.s32 $0xFFFFF000  }
.LBB2_2:
0x19: {  	p0 =	sne.s32 s13, $0x1FC0  }
.Ltmp0:
0x1a: {  	_ = 	snop;
	(pc) =	sbr.rel @p0 .LBB2_2-.Ltmp0, $3  }
0x1b: {  	_ =	sdelay $0x1  }
0x1c: {  	s28 =	sshra.s32 s13, $0x2  }
0x1d: {  	s13 =	sadd.s32 $0x40, s13;
	[tilespmem:s28+$0x1000] =	vst v3  }
0x1e: {  	s13 =	simm.s32 $0x0  }
0x1f: {  	v6 =	vld [tilespmem:s13+$0x0];
	_ =	sdelay $0x4  }
0x20: {  	(xrf0) =	vadd.scan.msk.s32 $0xffff, v6;
	_ =	sdelay $0x5  }
0x21: {  	s18 =	simm.s32 $0xFFFFFFFF;
	v7, _, _ =	vpop (xrf0)  }
0x22: {  	v8 =	vadd.s32 s18, v7;
	(v2sf) =	vpush v7, $0xF  }
0x23: {  	vm1 =	vgt.s32 v6, $0x0;
	vm2 =	vge.s32 v8, v0;
	v6 =	vsub.s32 v8, v0  }
0x24: {  	vm3 =	vlt.s32 v8, v2;
	vm1 =	vmand vm1, vm2;
	vm2 =	vgt.s32 v6, $0x0  }
0x25: {  	vm1 =	vmand vm3, vm1;
	v6 =	vnsel vm2, $0x0, v6  }
0x26: {  	v6 =	vmin.u32 v6, $0x7FF;
	_ =	sdelay $0x3  }
0x27: {  	v63 =	vor.u32 s4, v1;
	s28 =	simm.s32 $0x0  }
0x28: {  	s31 =	simm.s32 $0x10;
	s30 =	simm.s32 $0x80;
	s13 =	smov.u32 s4;
	[tilespmem:v6+s17+$0x0] =	vst.idx.msk vm1, v63  }
.LBB2_4:
0x29: {  	p0 =	sne.s32 s30, $0x3FC0;
	v6 =	vld [tilespmem:s31+$0x0];
	_ =	sdelay $0x4  }
0x2a: {  	vm1 =	vgt.s32 v6, $0x0;
	(xrf0) =	vadd.scan.msk.s32 $0xffff, v6;
	s31 =	spop (v2sf)  }
0x2b: {  	s28 =	sadd.s32 s28, s31  }
0x2c: {  	s31 =	sadd.s32 $0xFFFFFFFF, s28;
	_ =	sdelay $0x3  }
0x2d: {  	v6, _, _ =	vpop (xrf0)  }
0x2e: {  	v7 =	vadd.s32 s31, v6;
	(v2sf) =	vpush v6, $0xF  }
0x2f: {  	vm2 =	vge.s32 v7, v0;
	vm3 =	vlt.s32 v7, v2;
	v6 =	vsub.s32 v7, v0  }
0x30: {  	vm1 =	vmand vm1, vm2;
	vm2 =	vgt.s32 v6, $0x0  }
0x31: {  	vm1 =	vmand vm3, vm1;
	v6 =	vnsel vm2, $0x0, v6  }
0x32: {  	v6 =	vmin.u32 v6, $0x7FF  }
.Ltmp1:
0x33: {  	(pc) =	sbr.rel @p0 .LBB2_4-.Ltmp1, $4  }
0x34: {  	_ = 	snop  }
0x35: {  	s13 =	sadd.s32 $0x10, s13  }
0x36: {  	v7 =	vor.u32 s13, v1  }
0x37: {  	s31 =	sshra.s32 s30, $0x2;
	s30 =	sadd.s32 $0x40, s30;
	[tilespmem:v6+s17+$0x0] =	vst.idx.msk vm1, v7  }
0x38: {  	v6 =	vld [tilespmem:s31+$0x0];
	_ =	sdelay $0x4  }
0x39: {  	(xrf0) =	vadd.scan.msk.s32 $0xffff, v6;
	_ =	sdelay $0x3  }
0x3a: {  	s30 =	spop (v2sf)  }
0x3b: {  	s28 =	sadd.s32 s28, s30  }
0x3c: {  	s28 =	sadd.s32 $0xFFFFFFFF, s28;
	v7, _, _ =	vpop (xrf0)  }
0x3d: {  	v8 =	vadd.s32 s28, v7  }
0x3e: {  	vm1 =	vgt.s32 v6, $0x0;
	vm2 =	vge.s32 v8, v0;
	v6 =	vsub.s32 v8, v0  }
0x3f: {  	vm3 =	vlt.s32 v8, v2;
	vm1 =	vmand vm1, vm2;
	vm2 =	vgt.s32 v6, $0x0  }
0x40: {  	vm1 =	vmand vm3, vm1;
	v6 =	vnsel vm2, $0x0, v6  }
0x41: {  	v6 =	vmin.u32 v6, $0x7FF;
	_ =	sdelay $0x2  }
0x42: {  	s13 =	sadd.s32 $0x10, s13  }
0x43: {  	v58 =	vor.u32 s13, v1  }
0x44: {  	[tilespmem:v6+s17+$0x0] =	vst.idx.msk vm1, v58  }
0x45: {  	v6 =	vld.msk [tilespmem:$0x1000], $0xff;
	_ =	sdelay $0x4  }
0x46: {  	v59 =	vshll.u32 v6, $0x3  }
0x47: {  	v6 =	vand.u32 $0x7, v6;
	v8 =	vand.u32 $0xFFFFFFC0, v59  }
0x48: {  	v6 =	vor.u32 v6, v8  }
0x49: {  	v6 =	vperm.xlane v6, v4;
	_ =	sdelay $0x1  }
0x4a: {  	v6 =	vadd.s32 v5, v6;
	_ =	sdelay $0x3  }
0x4b: {  	s2 =	simm.s32 $0x1800  }
0x4c: {  	[tilespmem:s2], [sflag:$0x1] =	stream.indirect_vreg.gather [hbm4b:s1+s5], $0x80, v6, vm0, $0xb8;
	[tilespmem:$0x1B800] =	vst v63  }
0x4d: {  	s18 =	simm.s32 $0x2000  }
0x4e: {  	[tilespmem:s18], [sflag:$0x1] =	stream.indirect_vreg.gather [hbm4b:s7+s5], $0x80, v6, vm0, $0xb8;
	[tilespmem:$0x1B800] =	vst v63  }
0x4f: {  	s31 =	simm.s32 $0x2800  }
0x50: {  	[tilespmem:s31], [sflag:$0x1] =	stream.indirect_vreg.gather [hbm4b:s8+s5], $0x80, v6, vm0, $0xb8;
	[tilespmem:$0x1B800] =	vst v63  }
0x51: {  	s13 =	simm.s32 $0x3000  }
0x52: {  	[tilespmem:s13], [sflag:$0x1] =	stream.indirect_vreg.gather [hbm4b:s9+s5], $0x80, v6, vm0, $0xb8;
	[tilespmem:$0x1B800] =	vst v63  }
0x53: {  	v6 =	vld.msk [tilespmem:$0x1008], $0xff;
	_ =	sdelay $0x4  }
0x54: {  	v60 =	vshll.u32 v6, $0x3  }
0x55: {  	v6 =	vand.u32 $0x7, v6;
	v8 =	vand.u32 $0xFFFFFFC0, v60  }
0x56: {  	v6 =	vor.u32 v6, v8  }
0x57: {  	v6 =	vperm.xlane v6, v4;
	_ =	sdelay $0x1  }
0x58: {  	v6 =	vadd.s32 v5, v6;
	_ =	sdelay $0x3  }
0x59: {  	s14 =	simm.s32 $0x3800  }
0x5a: {  	[tilespmem:s14], [sflag:$0x2] =	stream.indirect_vreg.gather [hbm4b:s1+s5], $0x80, v6, vm0, $0xb8;
	[tilespmem:$0x1B800] =	vst v63  }
0x5b: {  	s15 =	simm.s32 $0x4000  }
0x5c: {  	[tilespmem:s15], [sflag:$0x2] =	stream.indirect_vreg.gather [hbm4b:s7+s5], $0x80, v6, vm0, $0xb8;
	[tilespmem:$0x1B800] =	vst v63  }
0x5d: {  	s18 =	simm.s32 $0x4800  }
0x5e: {  	[tilespmem:s18], [sflag:$0x2] =	stream.indirect_vreg.gather [hbm4b:s8+s5], $0x80, v6, vm0, $0xb8;
	[tilespmem:$0x1B800] =	vst v63  }
0x5f: {  	s31 =	simm.s32 $0x5000  }
0x60: {  	[tilespmem:s31], [sflag:$0x2] =	stream.indirect_vreg.gather [hbm4b:s9+s5], $0x80, v6, vm0, $0xb8;
	[tilespmem:$0x1B800] =	vst v63  }
0x61: {  	v6 =	vld.msk [tilespmem:$0x1010], $0xff;
	_ =	sdelay $0x4  }
0x62: {  	v61 =	vshll.u32 v6, $0x3  }
0x63: {  	v6 =	vand.u32 $0x7, v6;
	v8 =	vand.u32 $0xFFFFFFC0, v61  }
0x64: {  	v6 =	vor.u32 v6, v8  }
0x65: {  	v6 =	vperm.xlane v6, v4;
	_ =	sdelay $0x1  }
0x66: {  	v6 =	vadd.s32 v5, v6;
	_ =	sdelay $0x3  }
0x67: {  	s13 =	simm.s32 $0x5800  }
0x68: {  	[tilespmem:s13], [sflag:$0x3] =	stream.indirect_vreg.gather [hbm4b:s1+s5], $0x80, v6, vm0, $0xb8;
	[tilespmem:$0x1B800] =	vst v63  }
0x69: {  	s14 =	simm.s32 $0x6000  }
0x6a: {  	[tilespmem:s14], [sflag:$0x3] =	stream.indirect_vreg.gather [hbm4b:s7+s5], $0x80, v6, vm0, $0xb8;
	[tilespmem:$0x1B800] =	vst v63  }
0x6b: {  	s15 =	simm.s32 $0x6800  }
0x6c: {  	[tilespmem:s15], [sflag:$0x3] =	stream.indirect_vreg.gather [hbm4b:s8+s5], $0x80, v6, vm0, $0xb8;
	[tilespmem:$0x1B800] =	vst v63  }
0x6d: {  	s18 =	simm.s32 $0x7000  }
0x6e: {  	[tilespmem:s18], [sflag:$0x3] =	stream.indirect_vreg.gather [hbm4b:s9+s5], $0x80, v6, vm0, $0xb8;
	[tilespmem:$0x1B800] =	vst v63  }
0x6f: {  	v6 =	vld.msk [tilespmem:$0x1018], $0xff;
	_ =	sdelay $0x4  }
0x70: {  	v62 =	vshll.u32 v6, $0x3  }
0x71: {  	v6 =	vand.u32 $0x7, v6;
	v8 =	vand.u32 $0xFFFFFFC0, v62  }
0x72: {  	v6 =	vor.u32 v6, v8  }
0x73: {  	v6 =	vperm.xlane v6, v4;
	_ =	sdelay $0x1  }
0x74: {  	v6 =	vadd.s32 v5, v6;
	_ =	sdelay $0x3  }
0x75: {  	s31 =	simm.s32 $0x7800  }
0x76: {  	[tilespmem:s31], [sflag:$0x4] =	stream.indirect_vreg.gather [hbm4b:s1+s5], $0x80, v6, vm0, $0xb8;
	[tilespmem:$0x1B800] =	vst v63  }
0x77: {  	s13 =	simm.s32 $0x8000  }
0x78: {  	[tilespmem:s13], [sflag:$0x4] =	stream.indirect_vreg.gather [hbm4b:s7+s5], $0x80, v6, vm0, $0xb8;
	[tilespmem:$0x1B800] =	vst v63  }
0x79: {  	s14 =	simm.s32 $0x8800  }
0x7a: {  	[tilespmem:s14], [sflag:$0x4] =	stream.indirect_vreg.gather [hbm4b:s8+s5], $0x80, v6, vm0, $0xb8;
	[tilespmem:$0x1B800] =	vst v63  }
0x7b: {  	s15 =	simm.s32 $0x9000  }
0x7c: {  	[tilespmem:s15], [sflag:$0x4] =	stream.indirect_vreg.gather [hbm4b:s9+s5], $0x80, v6, vm0, $0xb8;
	[tilespmem:$0x1B800] =	vst v63  }
0x7d: {  	v6 =	vld.msk [tilespmem:$0x1020], $0xff;
	_ =	sdelay $0x4  }
0x7e: {  	(v2sf) =	vpush v7, $0xF;
	v63 =	vshll.u32 v6, $0x3  }
0x7f: {  	v6 =	vand.u32 $0x7, v6;
	v8 =	vand.u32 $0xFFFFFFC0, v63  }
0x80: {  	v6 =	vor.u32 v6, v8  }
0x81: {  	v6 =	vperm.xlane v6, v4;
	_ =	sdelay $0x1  }
0x82: {  	v6 =	vadd.s32 v5, v6;
	_ =	sdelay $0x3  }
0x83: {  	s18 =	simm.s32 $0x9800  }
0x84: {  	[tilespmem:s18], [sflag:$0x5] =	stream.indirect_vreg.gather [hbm4b:s1+s5], $0x80, v6, vm0, $0xb8;
	[tilespmem:$0x1B800] =	vst v63  }
0x85: {  	_ = 	snop  }
0x86: {  	[tilespmem:s19], [sflag:$0x5] =	stream.indirect_vreg.gather [hbm4b:s7+s5], $0x80, v6, vm0, $0xb8;
	[tilespmem:$0x1B800] =	vst v63  }
0x87: {  	s30 =	simm.s32 $0xFFFFFFFF  }
0x88: {  	[tilespmem:s20], [sflag:$0x5] =	stream.indirect_vreg.gather [hbm4b:s8+s5], $0x80, v6, vm0, $0xb8;
	[tilespmem:$0x1B800] =	vst v63  }
0x89: {  	s28 =	simm.s32 $0x1028;
	s31 =	spop (v2sf);
	s13 =	smov.u32 s29  }
0x8a: {  	[tilespmem:s21], [sflag:$0x5] =	stream.indirect_vreg.gather [hbm4b:s9+s5], $0x80, v6, vm0, $0xb8;
	[tilespmem:$0x1B800] =	vst v63  }
.LBB2_6:
0x8b: {  	s31 =	sadd.s32 $0x1, s30  }
0x8c: {  	p0 =	seq.s32 s31, $0x0  }
0x8d: {  	s2 =	sand.u32 @!p0 $0xFF, s30  }
0x8e: {  	s2 =	smul.u32 @!p0 $0xAB, s2;
	_ =	sdelay $0x1  }
0x8f: {  	s2 =	sshrl.u32 @!p0 s2, $0x9  }
0x90: {  	s2 =	smul.u32 @!p0 $0x3, s2  }
0x91: {  	s14 =	simm.s32 @!p0 $0xB  }
0x92: {  	_ =	swait.ge @!p0 [sflag:s14], $0x2000;
	s2 =	ssub.s32 @!p0 s30, s2  }
0x93: {  	s15 =	sshll.u32 @!p0 s0, $0x6;
	[sflag:s14] =	ssyncset.done @!p0 $0x0;
	s2 =	sand.u32 @!p0 $0xFF, s2  }
0x94: {  	s18 =	sshrl.u32 @!p0 s13, $0x3;
	[sflag:s14] =	ssyncadd.s32 @!p0 $0xFFFFE000;
	s14 =	sshll.u32 @!p0 s2, $0xD  }
0x95: {  	p1 =	sgt.u32 @!p0 s31, $0xFA;
	s2 =	sadd.s32 @!p0 s2, s15;
	s14 =	sadd.s32 @!p0 s14, s10  }
0x96: {  	s15 =	sadd.s32 @!p0 s3, s18;
	s2 =	sadd.s32 @!p0 $0x1C0C, s2;
	s14 =	sshrl.u32 @!p0 s14, $0x3  }
0x97: {  	[hbm:s15], [sflag:s2] =	dma.local @!p0 [spmem:s14], $0x400  }
0x98: {  	p0 =	por p0, !p1  }
0x99: {  	v6 =	vld.msk @p0 [tilespmem:s28+$0x0], $0xff;
	_ =	sdelay $0x3  }
0x9a: {  	s2 =	sadd.s32 @p0 $0x6, s30  }
0x9b: {  	s14 =	smul.u32 @p0 $0xCD, s2;
	v7 =	vshll.u32 @p0 v6, $0x3  }
0x9c: {  	v6 =	vand.u32 @p0 $0x7, v6;
	v7 =	vand.u32 @p0 $0xFFFFFFC0, v7  }
0x9d: {  	s14 =	sshrl.u32 @p0 s14, $0xB;
	v6 =	vor.u32 @p0 v6, v7  }
0x9e: {  	s14 =	sand.u32 @p0 $0x1F, s14;
	v6 =	vperm.xlane @p0 v6, v4  }
0x9f: {  	s14 =	smul.u32 @p0 $0xA, s14  }
0xa0: {  	v6 =	vadd.s32 @p0 v5, v6  }
0xa1: {  	s2 =	ssub.s32 @p0 s2, s14  }
0xa2: {  	s2 =	sand.u32 @p0 $0xFF, s2  }
0xa3: {  	s14 =	sshll.u32 @p0 s2, $0xD  }
0xa4: {  	s2 =	sadd.s32 @p0 $0x1, s2;
	s15 =	sor.u32 @p0 $0x1800, s14  }
0xa5: {  	[tilespmem:s15], [sflag:s2] =	stream.indirect_vreg.gather @p0 [hbm4b:s1+s5], $0x80, v6, vm0, $0xb8;
	[tilespmem:$0x1B800] =	vst v63  }
0xa6: {  	s15 =	sadd.s32 @p0 $0x2000, s14  }
0xa7: {  	[tilespmem:s15], [sflag:s2] =	stream.indirect_vreg.gather @p0 [hbm4b:s7+s5], $0x80, v6, vm0, $0xb8;
	[tilespmem:$0x1B800] =	vst v63  }
0xa8: {  	s15 =	sadd.s32 @p0 $0x2800, s14  }
0xa9: {  	[tilespmem:s15], [sflag:s2] =	stream.indirect_vreg.gather @p0 [hbm4b:s8+s5], $0x80, v6, vm0, $0xb8;
	[tilespmem:$0x1B800] =	vst v63  }
0xaa: {  	s14 =	sadd.s32 @p0 $0x3000, s14;
	s15 =	smul.u32 $0xCD, s31  }
0xab: {  	[tilespmem:s14], [sflag:s2] =	stream.indirect_vreg.gather @p0 [hbm4b:s9+s5], $0x80, v6, vm0, $0xb8;
	[tilespmem:$0x1B800] =	vst v63  }
0xac: {  	s2 =	sshrl.u32 s15, $0xB;
	p0 =	slt.u32 s31, $0x3  }
0xad: {  	s2 =	sand.u32 $0x1F, s2;
	s14 =	sadd.s32 @!p0 $0xFFFFFFFD, s31  }
0xae: {  	s2 =	smul.u32 $0xA, s2;
	s15 =	sand.u32 @!p0 $0xFF, s14  }
0xaf: {  	s15 =	smul.u32 @!p0 $0xAB, s15;
	_ =	sdelay $0x1  }
0xb0: {  	s2 =	ssub.s32 s31, s2;
	s15 =	sshrl.u32 @!p0 s15, $0x9  }
0xb1: {  	s2 =	sand.u32 $0xFF, s2;
	s15 =	smul.u32 @!p0 $0x3, s15  }
0xb2: {  	s30 =	sadd.s32 $0x1, s2  }
0xb3: {  	s18 =	smul.u32 $0xAB, s31;
	_ =	swait.ge [sflag:s30], $0x2000;
	s14 =	ssub.s32 @!p0 s14, s15  }
0xb4: {  	[sflag:s30] =	ssyncset.done $0x0;
	s14 =	sor.u32 @!p0 $0xC, s14  }
0xb5: {  	s18 =	sshrl.u32 s18, $0x9;
	[sflag:s30] =	ssyncadd.s32 $0xFFFFE000;
	s14 =	sand.u32 @!p0 $0xFF, s14  }
0xb6: {  	s18 =	sand.u32 $0x7F, s18;
	_ =	swait.ge @!p0 [sflag:s14], $0x400  }
0xb7: {  	s18 =	smul.u32 $0x3, s18;
	[sflag:s14] =	ssyncset.done @!p0 $0x0  }
0xb8: {  	[sflag:s14] =	ssyncadd.s32 @!p0 $0xFFFFFC00;
	p0 =	sne.s32 s31, $0xFF  }
.Ltmp2:
0xb9: {  	s15 =	ssub.s32 s31, s18;
	(pc) =	sbr.rel @p0 .LBB2_6-.Ltmp2, $4  }
0xba: {  	s13 =	sadd.s32 $0x2000, s13;
	s15 =	sand.u32 $0xFF, s15  }
0xbb: {  	s28 =	sadd.s32 $0x8, s28;
	s2 =	sshll.u32 s2, $0xD;
	s15 =	sshll.u32 s15, $0xD  }
0xbc: {  	s2 =	sor.u32 $0x1800, s2;
	s30 =	smov.u32 s31;
	s18 =	sadd.s32 s15, s10  }
0xbd: {  	[spmem:s18] =	stream.linear.scatter [tilespmem:s2], [sflag:$0xB], $0x2000, $0x38;
	[tilespmem:$0x1B800] =	vst v63  }
0xbe: {  	_ =	swait.ge [sflag:s22], $0x2000  }
0xbf: {  	s2 =	sshll.u32 s0, $0x6;
	[sflag:s22] =	ssyncset.done $0x0  }
0xc0: {  	s13 =	sshrl.u32 s10, $0x3;
	s2 =	sor.u32 $0x1C0C, s2;
	[sflag:s22] =	ssyncadd.s32 $0xFFFFE000  }
0xc1: {  	[hbm:s11], [sflag:s2] =	dma.local [spmem:s13], $0x400  }
0xc2: {  	_ =	swait.ge [sflag:s23], $0x400  }
0xc3: {  	[sflag:s23] =	ssyncset.done $0x0  }
0xc4: {  	s26 =	sadd.s32 $0x1, s26;
	[sflag:s23] =	ssyncadd.s32 $0xFFFFFC00  }
0xc5: {  	p0 =	sne.s32 s26, s12;
	_ =	swait.ge [sflag:s24], $0x400  }
.Ltmp3:
0xc6: {  	[sflag:s24] =	ssyncset.done $0x0;
	(pc) =	sbr.rel @p0 .LBB2_1-.Ltmp3, $4  }
0xc7: {  	[sflag:s24] =	ssyncadd.s32 $0xFFFFFC00  }
0xc8: {  	_ =	swait.ge [sflag:s25], $0x400  }
0xc9: {  	[sflag:s25] =	ssyncset.done $0x0  }
0xca: {  	[sflag:s25] =	ssyncadd.s32 $0xFFFFFC00  }
0xcb: {  	_ =	sfence.sel $0x180000  }
0xcc: {  	[bflag:$0x0] =	sbarrier.arrive $0xFFFF  }
0xcd: {  	_ =	strace $0x90000047  }
0xce: {  	[bflag:$0x2] =	sbarrier.arrive $0xFFFF  }
0xcf: {  	p0 =	sne.s32 s0, $0x0;
	s0 =	rddreg [dreg:$0x4]  }
0xd0: {  	s0 =	sadd.s32 @!p0 $0x100000, s0  }
0xd1: {  	[sflag:s0] =	ssyncadd.tile.s32 @!p0 $0x1;
	_ =	shalt  }
.Lfunc_end2:
_tile_overlayer_lowered:
.L_overlay_start_2:
0xd2: {  	(tag) =	ssettag $0x2  }
0xd3: {  	s0 =	rddreg [dreg:$0x0];
	s2 =	stileid.u32  }
0xd4: {  	s1 =	rddreg [dreg:$0x1];
	p0 =	sne.s32 s2, $0x0  }
0xd5: {  	s3 =	rddreg [dreg:$0x2];
	[bflag:$0x3] =	sbarrier.arrive $0xFFFF;
	s2 =	simm.s32 @!p0 $0x1C0F  }
0xd6: {  	[timem:s3], [sflag:s2] =	dma.local @!p0 [hbm:s0], s1  }
0xd7: {  	s0 =	simm.s32 @!p0 $0xF  }
0xd8: {  	_ =	swait.ge @!p0 [sflag:s0], s1  }
0xd9: {  	s1 =	ssub.s32 @!p0 $0x0, s1;
	[sflag:s0] =	ssyncset.done @!p0 $0x0  }
0xda: {  	[sflag:s0] =	ssyncadd.s32 @!p0 s1  }
0xdb: {  	[bflag:$0x3] =	sbarrier.arrive $0xFFFF  }
0xdc: {  	_ =	shalt  }

</sc_bundles>
